<compile_context>
chip_gen: v7x
topology: tpu7x:2x2x1
jax: 0.10.2.dev20260603
libtpu: 0.0.44.dev20260713+nightly
codegen_flags: <defaults>
</compile_context>

<pallas_src>
import math

import jax
import jax.numpy as jnp
from jax import lax
from jax.experimental import pallas as pl
from jax.experimental.pallas import tpu as pltpu
from jax.experimental.pallas import tpu_sc as plsc

N_CLUSTER = 1024
N_FEATURES = 256
BATCH = 16384
BLOCK_B = 1024

NC = 2
NS = 16
NW = NC * NS
ROWS_PER_W = BATCH // NW
CHUNK_ROWS = 64
CHUNK_WORDS = CHUNK_ROWS * N_CLUSTER
N_CHUNKS = ROWS_PER_W // CHUNK_ROWS
IDX_ROWS = 4
IDX_COLS = 128


def _tc_kernel(z_ref, lsT_ref, muT_ref, pi_ref, yc_ref, off_ref,
               at_ref, bt_ref, r_ref):
    i = pl.program_id(0)

    @pl.when(i == 0)
    def _prologue():
        lsT = lsT_ref[...]
        muT = muT_ref[...]
        inv_sT = jnp.exp(-lsT)
        at_ref[...] = -0.5 * inv_sT
        bt_ref[...] = muT * inv_sT
        const = jnp.sum(lsT, axis=0, keepdims=True)
        c = jnp.sum(muT * muT * inv_sT, axis=0, keepdims=True)
        logpi = jnp.log(pi_ref[...])
        r_ref[...] = logpi - 0.5 * (const + c
                                    + N_FEATURES * math.log(2.0 * math.pi))

    z = z_ref[...]
    zz = z * z
    logits = (r_ref[...]
              + jnp.dot(zz, at_ref[...], preferred_element_type=jnp.float32)
              + jnp.dot(z, bt_ref[...], preferred_element_type=jnp.float32))
    yita = jnp.exp(logits) + 1e-10
    s = jnp.sum(yita, axis=1, keepdims=True)
    yc = yita * (1.0 / s)
    yc_ref[...] = yc

    m = jnp.max(yc, axis=1, keepdims=True)
    iota = jax.lax.broadcasted_iota(jnp.int32, yc.shape, 1)
    idx = jnp.min(jnp.where(yc == m, iota, N_CLUSTER), axis=1, keepdims=True)
    row = jax.lax.broadcasted_iota(jnp.int32, idx.shape, 0) + i * BLOCK_B
    off_ref[...] = idx + row * N_CLUSTER


def _sc_zero_body(out_hbm, buf, sem):
    wid = lax.axis_index("s") * NC + lax.axis_index("c")
    zeros16 = jnp.zeros((16,), jnp.float32)

    def _fill(j, carry):
        for u in range(16):
            buf[pl.ds((j * 16 + u) * 16, 16)] = zeros16
        return carry

    lax.fori_loop(0, CHUNK_WORDS // 256, _fill, 0)

    base = wid * ROWS_PER_W * N_CLUSTER

    def _flush(cnk, carry):
        pltpu.async_copy(buf, out_hbm.at[pl.ds(base + cnk * CHUNK_WORDS,
                                               CHUNK_WORDS)], sem).wait()
        return carry

    lax.fori_loop(0, N_CHUNKS, _flush, 0)


def _sc_scatter_body(off_hbm, oh_hbm, idx_v, ones_v, sem):
    wid = lax.axis_index("s") * NC + lax.axis_index("c")
    base = wid * (ROWS_PER_W // IDX_COLS)
    pltpu.sync_copy(off_hbm.at[pl.ds(base, IDX_ROWS)], idx_v)
    ones16 = jnp.ones((16,), jnp.float32)
    for u in range(IDX_COLS // 16):
        ones_v[pl.ds(u * 16, 16)] = ones16
    for j in range(IDX_ROWS):
        pltpu.async_copy(ones_v, oh_hbm.at[idx_v.at[j]], sem).wait()


_sc_mesh = plsc.VectorSubcoreMesh(core_axis_name="c", subcore_axis_name="s")

_sc_zero = pl.kernel(
    _sc_zero_body,
    out_type=jax.ShapeDtypeStruct((BATCH * N_CLUSTER,), jnp.float32),
    mesh=_sc_mesh,
    scratch_types=[
        pltpu.VMEM((CHUNK_WORDS,), jnp.float32),
        pltpu.SemaphoreType.DMA,
    ],
)

_sc_scatter = pl.kernel(
    _sc_scatter_body,
    out_type=(),
    mesh=_sc_mesh,
    scratch_types=[
        pltpu.VMEM((IDX_ROWS, IDX_COLS), jnp.int32),
        pltpu.VMEM((IDX_COLS,), jnp.float32),
        pltpu.SemaphoreType.DMA,
    ],
)


@jax.jit
def kernel(z, pi_, mu_c, log_sigma2_c):
    B, d = z.shape
    K = mu_c.shape[0]
    grid = (B // BLOCK_B,)
    lsT = log_sigma2_c.T
    muT = mu_c.T
    pi2 = pi_.reshape(1, K)

    oh_flat = _sc_zero()

    yc, off = pl.pallas_call(
        _tc_kernel,
        grid=grid,
        in_specs=[
            pl.BlockSpec((BLOCK_B, d), lambda i: (i, 0)),
            pl.BlockSpec((d, K), lambda i: (0, 0)),
            pl.BlockSpec((d, K), lambda i: (0, 0)),
            pl.BlockSpec((1, K), lambda i: (0, 0)),
        ],
        out_specs=[
            pl.BlockSpec((BLOCK_B, K), lambda i: (i, 0)),
            pl.BlockSpec((BLOCK_B, 1), lambda i: (i, 0)),
        ],
        out_shape=[
            jax.ShapeDtypeStruct((B, K), jnp.float32),
            jax.ShapeDtypeStruct((B, 1), jnp.int32),
        ],
        scratch_shapes=[
            pltpu.VMEM((d, K), jnp.float32),
            pltpu.VMEM((d, K), jnp.float32),
            pltpu.VMEM((1, K), jnp.float32),
        ],
        compiler_params=pltpu.CompilerParams(
            dimension_semantics=("arbitrary",),
        ),
    )(z, lsT, muT, pi2)

    off2d = off.reshape(B // IDX_COLS, IDX_COLS)
    oh_ref = jax.new_ref(oh_flat)
    _sc_scatter(off2d, oh_ref)
    oh = oh_ref[...].reshape(B, K)
    return (yc, oh)

# --- scband reference (transcript-rebuilt; emitter-appended) ---
"""Pipeline reference for scband-gmm-84404697301671 (READ-ONLY COPY).

The authoritative reference and input builder live on the scoring server;
editing this copy changes nothing except your own understanding.
"""

import jax, jax.numpy as jnp
import numpy as np

N_CLUSTER = 1024
N_FEATURES = 256
B = 16384


def setup_inputs(seed: int = 0) -> dict:
    key = jax.random.key(seed)
    k1, k2, k3 = jax.random.split(key, 3)
    z = jax.random.normal(k1, (B, N_FEATURES), dtype=jnp.float32)
    # Learned GMM parameters. Original torch init is constant fill; we use small
    # random perturbations for mu/log_sigma2 so cluster responsibilities are
    # non-degenerate, and the exact constant init for pi_ (uniform mixture).
    pi_ = jnp.full((N_CLUSTER,), 1.0 / N_CLUSTER, dtype=jnp.float32)
    mu_c = 0.05 * jax.random.normal(k2, (N_CLUSTER, N_FEATURES), dtype=jnp.float32)
    log_sigma2_c = 0.05 * jax.random.normal(k3, (N_CLUSTER, N_FEATURES), dtype=jnp.float32)
    return {"z": z, "pi_": pi_, "mu_c": mu_c, "log_sigma2_c": log_sigma2_c}


def _gaussian_pdfs_log(x, mus, log_sigma2s):
    # Faithful to the torch per-cluster loop:
    #   -0.5 * sum_d( log(2*pi) + log_sigma2[c,d] + (x[:,d]-mu[c,d])^2 / exp(log_sigma2[c,d]) )
    # Vectorized via the quadratic expansion (x-mu)^2/s = x^2/s - 2 x mu/s + mu^2/s
    # expressed as matmuls to avoid a [B,K,d] intermediate (same math).
    inv_s = jnp.exp(-log_sigma2s)  # [K, d]
    quad = (x * x) @ inv_s.T - 2.0 * (x @ (mus * inv_s).T) + jnp.sum(mus * mus * inv_s, axis=1)[None, :]  # [B, K]
    const = jnp.sum(log_sigma2s, axis=1)[None, :] + x.shape[1] * np.log(np.pi * 2)  # [1, K] broadcast
    return -0.5 * (const + quad)  # [B, K]


def reference(z, pi_, mu_c, log_sigma2_c):
    # GMM.get_asign(z)
    det = 1e-10
    yita = jnp.exp(jnp.log(pi_)[None, :] + _gaussian_pdfs_log(z, mu_c, log_sigma2_c)) + det  # [B, K]
    yita_c = yita / jnp.sum(yita, axis=1, keepdims=True)
    pred = jnp.argmax(yita_c, axis=1)  # [B]
    oh = jax.nn.one_hot(pred, yita_c.shape[1], dtype=yita_c.dtype)  # scatter_(1, pred, 1.0)
    return (yita_c, oh)

if __name__ == "__main__":
    import jax
    _d = setup_inputs()
    print(jax.jit(kernel)(*tuple(_d.values())))

</pallas_src>

<mosaic_0001>
#map = affine_map<(d0, d1) -> (0, 0)>
#map1 = affine_map<(d0, d1) -> (0)>
module attributes {stable_mosaic.version = 14 : i64} {
  func.func @new_body(%arg0: i32, %arg1: i32, %arg2: memref<128x128xi32, #tpu.memory_space<hbm>>, %arg3: memref<16777216xf32, #tpu.memory_space<hbm>>, %arg4: memref<16777216xf32, #tpu.memory_space<hbm>>, %arg5: memref<4x128xi32, #tpu.memory_space<vmem>>, %arg6: memref<128xf32, #tpu.memory_space<vmem>>, %arg7: memref<!tpu.dma_semaphore, #tpu.memory_space<semaphore_mem>>) attributes {dimension_semantics = [#tpu.dimension_semantics<core_parallel>, #tpu.dimension_semantics<subcore_parallel>], iteration_bounds = array<i64: 2, 16>, scalar_prefetch = 0 : i64, scratch_operands = 3 : i64, tpu.core_type = #tpu.core_type<sc_vector_subcore>, window_params = [{transform_indices = #map}, {transform_indices = #map1}, {transform_indices = #map1}]} {
    %mul3A = arith.constant 2 : i32
    %mul3A_0 = arith.muli %arg1, %mul3A : i32
    %add3A = arith.addi %mul3A_0, %arg0 : i32
    %mul3A_1 = arith.constant 4 : i32
    %mul3A_2 = arith.muli %add3A, %mul3A_1 : i32
    "tpu.region"() ({
      %run_scoped3A = tpu.sem_alloc : memref<!tpu.dma_semaphore, #tpu.memory_space<semaphore_mem>>
      %dma_start3A_81 = arith.constant 0 : i32
      %dma_start3A_82 = tpu.memref_slice %arg2[%mul3A_2, %dma_start3A_81] : memref<128x128xi32, #tpu.memory_space<hbm>> -> memref<4x128xi32, #tpu.memory_space<hbm>>
      %dma_start3A_83 = arith.constant 0 : i32
      %dma_start3A_84 = tpu.memref_slice %arg2[%mul3A_2, %dma_start3A_83] : memref<128x128xi32, #tpu.memory_space<hbm>> -> memref<4x128xi32, #tpu.memory_space<hbm>>
      tpu.enqueue_dma source(%dma_start3A_84 : memref<4x128xi32, #tpu.memory_space<hbm>>) target(%arg5 : memref<4x128xi32, #tpu.memory_space<vmem>>) target_semaphore(%run_scoped3A : memref<!tpu.dma_semaphore, #tpu.memory_space<semaphore_mem>>)
      %dma_wait3A_85 = arith.constant 0 : i32
      %dma_wait3A_86 = tpu.memref_slice %arg2[%mul3A_2, %dma_wait3A_85] : memref<128x128xi32, #tpu.memory_space<hbm>> -> memref<4x128xi32, #tpu.memory_space<hbm>>
      %dma_wait3A_87 = arith.constant 0 : i32
      %dma_wait3A_88 = tpu.memref_slice %arg2[%mul3A_2, %dma_wait3A_87] : memref<128x128xi32, #tpu.memory_space<hbm>> -> memref<4x128xi32, #tpu.memory_space<hbm>>
      tpu.wait_dma2 semaphore(%run_scoped3A : memref<!tpu.dma_semaphore, #tpu.memory_space<semaphore_mem>>) src(%dma_wait3A_88 : memref<4x128xi32, #tpu.memory_space<hbm>>) dst(%arg5 : memref<4x128xi32, #tpu.memory_space<vmem>>)
      tpu.yield
    }) : () -> ()
    %broadcast_in_dim3A = arith.constant 1.000000e+00 : f32
    %broadcast_in_dim3A_3 = vector.broadcast %broadcast_in_dim3A : f32 to vector<16xf32>
    %swap3A = arith.constant 0 : index
    %swap3A_4 = tpu.vector_load %arg6[%swap3A] {strides = array<i32>} : memref<128xf32, #tpu.memory_space<vmem>>, vector<16xf32>,
    %swap3A_5 = vector.shape_cast %swap3A_4 : vector<16xf32> to vector<16xf32>
    %swap3A_6 = vector.shape_cast %broadcast_in_dim3A_3 : vector<16xf32> to vector<16xf32>
    tpu.vector_store %arg6[%swap3A], %swap3A_6 {strides = array<i32>} : memref<128xf32, #tpu.memory_space<vmem>>, vector<16xf32>,
    %swap3A_7 = arith.constant 16 : index
    %swap3A_8 = tpu.vector_load %arg6[%swap3A_7] {strides = array<i32>} : memref<128xf32, #tpu.memory_space<vmem>>, vector<16xf32>,
    %swap3A_9 = vector.shape_cast %swap3A_8 : vector<16xf32> to vector<16xf32>
    %swap3A_10 = vector.shape_cast %broadcast_in_dim3A_3 : vector<16xf32> to vector<16xf32>
    tpu.vector_store %arg6[%swap3A_7], %swap3A_10 {strides = array<i32>} : memref<128xf32, #tpu.memory_space<vmem>>, vector<16xf32>,
    %swap3A_11 = arith.constant 32 : index
    %swap3A_12 = tpu.vector_load %arg6[%swap3A_11] {strides = array<i32>} : memref<128xf32, #tpu.memory_space<vmem>>, vector<16xf32>,
    %swap3A_13 = vector.shape_cast %swap3A_12 : vector<16xf32> to vector<16xf32>
    %swap3A_14 = vector.shape_cast %broadcast_in_dim3A_3 : vector<16xf32> to vector<16xf32>
    tpu.vector_store %arg6[%swap3A_11], %swap3A_14 {strides = array<i32>} : memref<128xf32, #tpu.memory_space<vmem>>, vector<16xf32>,
    %swap3A_15 = arith.constant 48 : index
    %swap3A_16 = tpu.vector_load %arg6[%swap3A_15] {strides = array<i32>} : memref<128xf32, #tpu.memory_space<vmem>>, vector<16xf32>,
    %swap3A_17 = vector.shape_cast %swap3A_16 : vector<16xf32> to vector<16xf32>
    %swap3A_18 = vector.shape_cast %broadcast_in_dim3A_3 : vector<16xf32> to vector<16xf32>
    tpu.vector_store %arg6[%swap3A_15], %swap3A_18 {strides = array<i32>} : memref<128xf32, #tpu.memory_space<vmem>>, vector<16xf32>,
    %swap3A_19 = arith.constant 64 : index
    %swap3A_20 = tpu.vector_load %arg6[%swap3A_19] {strides = array<i32>} : memref<128xf32, #tpu.memory_space<vmem>>, vector<16xf32>,
    %swap3A_21 = vector.shape_cast %swap3A_20 : vector<16xf32> to vector<16xf32>
    %swap3A_22 = vector.shape_cast %broadcast_in_dim3A_3 : vector<16xf32> to vector<16xf32>
    tpu.vector_store %arg6[%swap3A_19], %swap3A_22 {strides = array<i32>} : memref<128xf32, #tpu.memory_space<vmem>>, vector<16xf32>,
    %swap3A_23 = arith.constant 80 : index
    %swap3A_24 = tpu.vector_load %arg6[%swap3A_23] {strides = array<i32>} : memref<128xf32, #tpu.memory_space<vmem>>, vector<16xf32>,
    %swap3A_25 = vector.shape_cast %swap3A_24 : vector<16xf32> to vector<16xf32>
    %swap3A_26 = vector.shape_cast %broadcast_in_dim3A_3 : vector<16xf32> to vector<16xf32>
    tpu.vector_store %arg6[%swap3A_23], %swap3A_26 {strides = array<i32>} : memref<128xf32, #tpu.memory_space<vmem>>, vector<16xf32>,
    %swap3A_27 = arith.constant 96 : index
    %swap3A_28 = tpu.vector_load %arg6[%swap3A_27] {strides = array<i32>} : memref<128xf32, #tpu.memory_space<vmem>>, vector<16xf32>,
    %swap3A_29 = vector.shape_cast %swap3A_28 : vector<16xf32> to vector<16xf32>
    %swap3A_30 = vector.shape_cast %broadcast_in_dim3A_3 : vector<16xf32> to vector<16xf32>
    tpu.vector_store %arg6[%swap3A_27], %swap3A_30 {strides = array<i32>} : memref<128xf32, #tpu.memory_space<vmem>>, vector<16xf32>,
    %swap3A_31 = arith.constant 112 : index
    %swap3A_32 = tpu.vector_load %arg6[%swap3A_31] {strides = array<i32>} : memref<128xf32, #tpu.memory_space<vmem>>, vector<16xf32>,
    %swap3A_33 = vector.shape_cast %swap3A_32 : vector<16xf32> to vector<16xf32>
    %swap3A_34 = vector.shape_cast %broadcast_in_dim3A_3 : vector<16xf32> to vector<16xf32>
    tpu.vector_store %arg6[%swap3A_31], %swap3A_34 {strides = array<i32>} : memref<128xf32, #tpu.memory_space<vmem>>, vector<16xf32>,
    %dma_start3A = arith.constant 0 : i32
    %dma_start3A_35 = arith.constant 0 : i32
    %dma_start3A_36 = tpu.memref_slice %arg5[%dma_start3A, %dma_start3A_35] : memref<4x128xi32, #tpu.memory_space<vmem>> -> memref<1x128xi32, #tpu.memory_space<vmem>>
    %dma_start3A_37 = tpu.memref_squeeze %dma_start3A_36 : memref<1x128xi32, #tpu.memory_space<vmem>> -> memref<128xi32, #tpu.memory_space<vmem>>
    %dma_start3A_38 = arith.constant 0 : i32
    %dma_start3A_39 = tpu.memref_slice %arg3[%dma_start3A_38] : memref<16777216xf32, #tpu.memory_space<hbm>> -> memref<16777216xf32, #tpu.memory_space<hbm>>
    tpu.enqueue_indirect_dma source(%arg6 : memref<128xf32, #tpu.memory_space<vmem>>) target(%dma_start3A_39 : memref<16777216xf32, #tpu.memory_space<hbm>>) offsets(%dma_start3A_37 : memref<128xi32, #tpu.memory_space<vmem>>) semaphore(%arg7 : memref<!tpu.dma_semaphore, #tpu.memory_space<semaphore_mem>>)
    %dma_wait3A = arith.constant 0 : i32
    %dma_wait3A_40 = arith.constant 0 : i32
    %dma_wait3A_41 = tpu.memref_slice %arg5[%dma_wait3A, %dma_wait3A_40] : memref<4x128xi32, #tpu.memory_space<vmem>> -> memref<1x128xi32, #tpu.memory_space<vmem>>
    %dma_wait3A_42 = tpu.memref_squeeze %dma_wait3A_41 : memref<1x128xi32, #tpu.memory_space<vmem>> -> memref<128xi32, #tpu.memory_space<vmem>>
    %dma_wait3A_43 = arith.constant 0 : i32
    %dma_wait3A_44 = tpu.memref_slice %arg3[%dma_wait3A_43] : memref<16777216xf32, #tpu.memory_space<hbm>> -> memref<16777216xf32, #tpu.memory_space<hbm>>
    tpu.wait_indirect_dma semaphore(%arg7 : memref<!tpu.dma_semaphore, #tpu.memory_space<semaphore_mem>>) src(%arg6 : memref<128xf32, #tpu.memory_space<vmem>>) dst(%dma_wait3A_44 : memref<16777216xf32, #tpu.memory_space<hbm>>)
    %dma_start3A_45 = arith.constant 1 : i32
    %dma_start3A_46 = arith.constant 0 : i32
    %dma_start3A_47 = tpu.memref_slice %arg5[%dma_start3A_45, %dma_start3A_46] : memref<4x128xi32, #tpu.memory_space<vmem>> -> memref<1x128xi32, #tpu.memory_space<vmem>>
    %dma_start3A_48 = tpu.memref_squeeze %dma_start3A_47 : memref<1x128xi32, #tpu.memory_space<vmem>> -> memref<128xi32, #tpu.memory_space<vmem>>
    %dma_start3A_49 = arith.constant 0 : i32
    %dma_start3A_50 = tpu.memref_slice %arg3[%dma_start3A_49] : memref<16777216xf32, #tpu.memory_space<hbm>> -> memref<16777216xf32, #tpu.memory_space<hbm>>
    tpu.enqueue_indirect_dma source(%arg6 : memref<128xf32, #tpu.memory_space<vmem>>) target(%dma_start3A_50 : memref<16777216xf32, #tpu.memory_space<hbm>>) offsets(%dma_start3A_48 : memref<128xi32, #tpu.memory_space<vmem>>) semaphore(%arg7 : memref<!tpu.dma_semaphore, #tpu.memory_space<semaphore_mem>>)
    %dma_wait3A_51 = arith.constant 1 : i32
    %dma_wait3A_52 = arith.constant 0 : i32
    %dma_wait3A_53 = tpu.memref_slice %arg5[%dma_wait3A_51, %dma_wait3A_52] : memref<4x128xi32, #tpu.memory_space<vmem>> -> memref<1x128xi32, #tpu.memory_space<vmem>>
    %dma_wait3A_54 = tpu.memref_squeeze %dma_wait3A_53 : memref<1x128xi32, #tpu.memory_space<vmem>> -> memref<128xi32, #tpu.memory_space<vmem>>
    %dma_wait3A_55 = arith.constant 0 : i32
    %dma_wait3A_56 = tpu.memref_slice %arg3[%dma_wait3A_55] : memref<16777216xf32, #tpu.memory_space<hbm>> -> memref<16777216xf32, #tpu.memory_space<hbm>>
    tpu.wait_indirect_dma semaphore(%arg7 : memref<!tpu.dma_semaphore, #tpu.memory_space<semaphore_mem>>) src(%arg6 : memref<128xf32, #tpu.memory_space<vmem>>) dst(%dma_wait3A_56 : memref<16777216xf32, #tpu.memory_space<hbm>>)
    %dma_start3A_57 = arith.constant 2 : i32
    %dma_start3A_58 = arith.constant 0 : i32
    %dma_start3A_59 = tpu.memref_slice %arg5[%dma_start3A_57, %dma_start3A_58] : memref<4x128xi32, #tpu.memory_space<vmem>> -> memref<1x128xi32, #tpu.memory_space<vmem>>
    %dma_start3A_60 = tpu.memref_squeeze %dma_start3A_59 : memref<1x128xi32, #tpu.memory_space<vmem>> -> memref<128xi32, #tpu.memory_space<vmem>>
    %dma_start3A_61 = arith.constant 0 : i32
    %dma_start3A_62 = tpu.memref_slice %arg3[%dma_start3A_61] : memref<16777216xf32, #tpu.memory_space<hbm>> -> memref<16777216xf32, #tpu.memory_space<hbm>>
    tpu.enqueue_indirect_dma source(%arg6 : memref<128xf32, #tpu.memory_space<vmem>>) target(%dma_start3A_62 : memref<16777216xf32, #tpu.memory_space<hbm>>) offsets(%dma_start3A_60 : memref<128xi32, #tpu.memory_space<vmem>>) semaphore(%arg7 : memref<!tpu.dma_semaphore, #tpu.memory_space<semaphore_mem>>)
    %dma_wait3A_63 = arith.constant 2 : i32
    %dma_wait3A_64 = arith.constant 0 : i32
    %dma_wait3A_65 = tpu.memref_slice %arg5[%dma_wait3A_63, %dma_wait3A_64] : memref<4x128xi32, #tpu.memory_space<vmem>> -> memref<1x128xi32, #tpu.memory_space<vmem>>
    %dma_wait3A_66 = tpu.memref_squeeze %dma_wait3A_65 : memref<1x128xi32, #tpu.memory_space<vmem>> -> memref<128xi32, #tpu.memory_space<vmem>>
    %dma_wait3A_67 = arith.constant 0 : i32
    %dma_wait3A_68 = tpu.memref_slice %arg3[%dma_wait3A_67] : memref<16777216xf32, #tpu.memory_space<hbm>> -> memref<16777216xf32, #tpu.memory_space<hbm>>
    tpu.wait_indirect_dma semaphore(%arg7 : memref<!tpu.dma_semaphore, #tpu.memory_space<semaphore_mem>>) src(%arg6 : memref<128xf32, #tpu.memory_space<vmem>>) dst(%dma_wait3A_68 : memref<16777216xf32, #tpu.memory_space<hbm>>)
    %dma_start3A_69 = arith.constant 3 : i32
    %dma_start3A_70 = arith.constant 0 : i32
    %dma_start3A_71 = tpu.memref_slice %arg5[%dma_start3A_69, %dma_start3A_70] : memref<4x128xi32, #tpu.memory_space<vmem>> -> memref<1x128xi32, #tpu.memory_space<vmem>>
    %dma_start3A_72 = tpu.memref_squeeze %dma_start3A_71 : memref<1x128xi32, #tpu.memory_space<vmem>> -> memref<128xi32, #tpu.memory_space<vmem>>
    %dma_start3A_73 = arith.constant 0 : i32
    %dma_start3A_74 = tpu.memref_slice %arg3[%dma_start3A_73] : memref<16777216xf32, #tpu.memory_space<hbm>> -> memref<16777216xf32, #tpu.memory_space<hbm>>
    tpu.enqueue_indirect_dma source(%arg6 : memref<128xf32, #tpu.memory_space<vmem>>) target(%dma_start3A_74 : memref<16777216xf32, #tpu.memory_space<hbm>>) offsets(%dma_start3A_72 : memref<128xi32, #tpu.memory_space<vmem>>) semaphore(%arg7 : memref<!tpu.dma_semaphore, #tpu.memory_space<semaphore_mem>>)
    %dma_wait3A_75 = arith.constant 3 : i32
    %dma_wait3A_76 = arith.constant 0 : i32
    %dma_wait3A_77 = tpu.memref_slice %arg5[%dma_wait3A_75, %dma_wait3A_76] : memref<4x128xi32, #tpu.memory_space<vmem>> -> memref<1x128xi32, #tpu.memory_space<vmem>>
    %dma_wait3A_78 = tpu.memref_squeeze %dma_wait3A_77 : memref<1x128xi32, #tpu.memory_space<vmem>> -> memref<128xi32, #tpu.memory_space<vmem>>
    %dma_wait3A_79 = arith.constant 0 : i32
    %dma_wait3A_80 = tpu.memref_slice %arg3[%dma_wait3A_79] : memref<16777216xf32, #tpu.memory_space<hbm>> -> memref<16777216xf32, #tpu.memory_space<hbm>>
    tpu.wait_indirect_dma semaphore(%arg7 : memref<!tpu.dma_semaphore, #tpu.memory_space<semaphore_mem>>) src(%arg6 : memref<128xf32, #tpu.memory_space<vmem>>) dst(%dma_wait3A_80 : memref<16777216xf32, #tpu.memory_space<hbm>>)
    return
  }
}

#map = affine_map<(d0, d1) -> (0)>
module attributes {stable_mosaic.version = 14 : i64} {
  func.func @_sc_zero_body(%arg0: i32, %arg1: i32, %arg2: memref<16777216xf32, #tpu.memory_space<hbm>>, %arg3: memref<65536xf32, #tpu.memory_space<vmem>>, %arg4: memref<!tpu.dma_semaphore, #tpu.memory_space<semaphore_mem>>) attributes {dimension_semantics = [#tpu.dimension_semantics<core_parallel>, #tpu.dimension_semantics<subcore_parallel>], iteration_bounds = array<i64: 2, 16>, scalar_prefetch = 0 : i64, scratch_operands = 2 : i64, tpu.core_type = #tpu.core_type<sc_vector_subcore>, window_params = [{transform_indices = #map}]} {
    %mul3A = arith.constant 2 : i32
    %mul3A_0 = arith.muli %arg1, %mul3A : i32
    %add3A = arith.addi %mul3A_0, %arg0 : i32
    %broadcast_in_dim3A = arith.constant 0.000000e+00 : f32
    %broadcast_in_dim3A_1 = vector.broadcast %broadcast_in_dim3A : f32 to vector<16xf32>
    %scan3A = arith.constant 0 : i32
    %scan3A_2 = arith.constant 0 : i32
    %scan3A_3 = arith.constant 256 : i32
    %scan3A_4 = arith.addi %scan3A_2, %scan3A_3 : i32
    %scan3A_5 = arith.constant 1 : i32
    scf.for %scan3A_17 = %scan3A_2 to %scan3A_4 step %scan3A_5  : i32 {
      %mul3A_18 = arith.constant 16 : i32
      %mul3A_19 = arith.muli %scan3A_17, %mul3A_18 : i32
      %add3A_20 = arith.constant 0 : i32
      %add3A_21 = arith.addi %mul3A_19, %add3A_20 : i32
      %mul3A_22 = arith.constant 16 : i32
      %mul3A_23 = arith.muli %add3A_21, %mul3A_22 : i32
      %swap3A = arith.index_cast %mul3A_23 : i32 to index
      %swap3A_24 = tpu.vector_load %arg3[%swap3A] {strides = array<i32>} : memref<65536xf32, #tpu.memory_space<vmem>>, vector<16xf32>,
      %swap3A_25 = vector.shape_cast %swap3A_24 : vector<16xf32> to vector<16xf32>
      %swap3A_26 = vector.shape_cast %broadcast_in_dim3A_1 : vector<16xf32> to vector<16xf32>
      tpu.vector_store %arg3[%swap3A], %swap3A_26 {strides = array<i32>} : memref<65536xf32, #tpu.memory_space<vmem>>, vector<16xf32>,
      %mul3A_27 = arith.constant 16 : i32
      %mul3A_28 = arith.muli %scan3A_17, %mul3A_27 : i32
      %add3A_29 = arith.constant 1 : i32
      %add3A_30 = arith.addi %mul3A_28, %add3A_29 : i32
      %mul3A_31 = arith.constant 16 : i32
      %mul3A_32 = arith.muli %add3A_30, %mul3A_31 : i32
      %swap3A_33 = arith.index_cast %mul3A_32 : i32 to index
      %swap3A_34 = tpu.vector_load %arg3[%swap3A_33] {strides = array<i32>} : memref<65536xf32, #tpu.memory_space<vmem>>, vector<16xf32>,
      %swap3A_35 = vector.shape_cast %swap3A_34 : vector<16xf32> to vector<16xf32>
      %swap3A_36 = vector.shape_cast %broadcast_in_dim3A_1 : vector<16xf32> to vector<16xf32>
      tpu.vector_store %arg3[%swap3A_33], %swap3A_36 {strides = array<i32>} : memref<65536xf32, #tpu.memory_space<vmem>>, vector<16xf32>,
      %mul3A_37 = arith.constant 16 : i32
      %mul3A_38 = arith.muli %scan3A_17, %mul3A_37 : i32
      %add3A_39 = arith.constant 2 : i32
      %add3A_40 = arith.addi %mul3A_38, %add3A_39 : i32
      %mul3A_41 = arith.constant 16 : i32
      %mul3A_42 = arith.muli %add3A_40, %mul3A_41 : i32
      %swap3A_43 = arith.index_cast %mul3A_42 : i32 to index
      %swap3A_44 = tpu.vector_load %arg3[%swap3A_43] {strides = array<i32>} : memref<65536xf32, #tpu.memory_space<vmem>>, vector<16xf32>,
      %swap3A_45 = vector.shape_cast %swap3A_44 : vector<16xf32> to vector<16xf32>
      %swap3A_46 = vector.shape_cast %broadcast_in_dim3A_1 : vector<16xf32> to vector<16xf32>
      tpu.vector_store %arg3[%swap3A_43], %swap3A_46 {strides = array<i32>} : memref<65536xf32, #tpu.memory_space<vmem>>, vector<16xf32>,
      %mul3A_47 = arith.constant 16 : i32
      %mul3A_48 = arith.muli %scan3A_17, %mul3A_47 : i32
      %add3A_49 = arith.constant 3 : i32
      %add3A_50 = arith.addi %mul3A_48, %add3A_49 : i32
      %mul3A_51 = arith.constant 16 : i32
      %mul3A_52 = arith.muli %add3A_50, %mul3A_51 : i32
      %swap3A_53 = arith.index_cast %mul3A_52 : i32 to index
      %swap3A_54 = tpu.vector_load %arg3[%swap3A_53] {strides = array<i32>} : memref<65536xf32, #tpu.memory_space<vmem>>, vector<16xf32>,
      %swap3A_55 = vector.shape_cast %swap3A_54 : vector<16xf32> to vector<16xf32>
      %swap3A_56 = vector.shape_cast %broadcast_in_dim3A_1 : vector<16xf32> to vector<16xf32>
      tpu.vector_store %arg3[%swap3A_53], %swap3A_56 {strides = array<i32>} : memref<65536xf32, #tpu.memory_space<vmem>>, vector<16xf32>,
      %mul3A_57 = arith.constant 16 : i32
      %mul3A_58 = arith.muli %scan3A_17, %mul3A_57 : i32
      %add3A_59 = arith.constant 4 : i32
      %add3A_60 = arith.addi %mul3A_58, %add3A_59 : i32
      %mul3A_61 = arith.constant 16 : i32
      %mul3A_62 = arith.muli %add3A_60, %mul3A_61 : i32
      %swap3A_63 = arith.index_cast %mul3A_62 : i32 to index
      %swap3A_64 = tpu.vector_load %arg3[%swap3A_63] {strides = array<i32>} : memref<65536xf32, #tpu.memory_space<vmem>>, vector<16xf32>,
      %swap3A_65 = vector.shape_cast %swap3A_64 : vector<16xf32> to vector<16xf32>
      %swap3A_66 = vector.shape_cast %broadcast_in_dim3A_1 : vector<16xf32> to vector<16xf32>
      tpu.vector_store %arg3[%swap3A_63], %swap3A_66 {strides = array<i32>} : memref<65536xf32, #tpu.memory_space<vmem>>, vector<16xf32>,
      %mul3A_67 = arith.constant 16 : i32
      %mul3A_68 = arith.muli %scan3A_17, %mul3A_67 : i32
      %add3A_69 = arith.constant 5 : i32
      %add3A_70 = arith.addi %mul3A_68, %add3A_69 : i32
      %mul3A_71 = arith.constant 16 : i32
      %mul3A_72 = arith.muli %add3A_70, %mul3A_71 : i32
      %swap3A_73 = arith.index_cast %mul3A_72 : i32 to index
      %swap3A_74 = tpu.vector_load %arg3[%swap3A_73] {strides = array<i32>} : memref<65536xf32, #tpu.memory_space<vmem>>, vector<16xf32>,
      %swap3A_75 = vector.shape_cast %swap3A_74 : vector<16xf32> to vector<16xf32>
      %swap3A_76 = vector.shape_cast %broadcast_in_dim3A_1 : vector<16xf32> to vector<16xf32>
      tpu.vector_store %arg3[%swap3A_73], %swap3A_76 {strides = array<i32>} : memref<65536xf32, #tpu.memory_space<vmem>>, vector<16xf32>,
      %mul3A_77 = arith.constant 16 : i32
      %mul3A_78 = arith.muli %scan3A_17, %mul3A_77 : i32
      %add3A_79 = arith.constant 6 : i32
      %add3A_80 = arith.addi %mul3A_78, %add3A_79 : i32
      %mul3A_81 = arith.constant 16 : i32
      %mul3A_82 = arith.muli %add3A_80, %mul3A_81 : i32
      %swap3A_83 = arith.index_cast %mul3A_82 : i32 to index
      %swap3A_84 = tpu.vector_load %arg3[%swap3A_83] {strides = array<i32>} : memref<65536xf32, #tpu.memory_space<vmem>>, vector<16xf32>,
      %swap3A_85 = vector.shape_cast %swap3A_84 : vector<16xf32> to vector<16xf32>
      %swap3A_86 = vector.shape_cast %broadcast_in_dim3A_1 : vector<16xf32> to vector<16xf32>
      tpu.vector_store %arg3[%swap3A_83], %swap3A_86 {strides = array<i32>} : memref<65536xf32, #tpu.memory_space<vmem>>, vector<16xf32>,
      %mul3A_87 = arith.constant 16 : i32
      %mul3A_88 = arith.muli %scan3A_17, %mul3A_87 : i32
      %add3A_89 = arith.constant 7 : i32
      %add3A_90 = arith.addi %mul3A_88, %add3A_89 : i32
      %mul3A_91 = arith.constant 16 : i32
      %mul3A_92 = arith.muli %add3A_90, %mul3A_91 : i32
      %swap3A_93 = arith.index_cast %mul3A_92 : i32 to index
      %swap3A_94 = tpu.vector_load %arg3[%swap3A_93] {strides = array<i32>} : memref<65536xf32, #tpu.memory_space<vmem>>, vector<16xf32>,
      %swap3A_95 = vector.shape_cast %swap3A_94 : vector<16xf32> to vector<16xf32>
      %swap3A_96 = vector.shape_cast %broadcast_in_dim3A_1 : vector<16xf32> to vector<16xf32>
      tpu.vector_store %arg3[%swap3A_93], %swap3A_96 {strides = array<i32>} : memref<65536xf32, #tpu.memory_space<vmem>>, vector<16xf32>,
      %mul3A_97 = arith.constant 16 : i32
      %mul3A_98 = arith.muli %scan3A_17, %mul3A_97 : i32
      %add3A_99 = arith.constant 8 : i32
      %add3A_100 = arith.addi %mul3A_98, %add3A_99 : i32
      %mul3A_101 = arith.constant 16 : i32
      %mul3A_102 = arith.muli %add3A_100, %mul3A_101 : i32
      %swap3A_103 = arith.index_cast %mul3A_102 : i32 to index
      %swap3A_104 = tpu.vector_load %arg3[%swap3A_103] {strides = array<i32>} : memref<65536xf32, #tpu.memory_space<vmem>>, vector<16xf32>,
      %swap3A_105 = vector.shape_cast %swap3A_104 : vector<16xf32> to vector<16xf32>
      %swap3A_106 = vector.shape_cast %broadcast_in_dim3A_1 : vector<16xf32> to vector<16xf32>
      tpu.vector_store %arg3[%swap3A_103], %swap3A_106 {strides = array<i32>} : memref<65536xf32, #tpu.memory_space<vmem>>, vector<16xf32>,
      %mul3A_107 = arith.constant 16 : i32
      %mul3A_108 = arith.muli %scan3A_17, %mul3A_107 : i32
      %add3A_109 = arith.constant 9 : i32
      %add3A_110 = arith.addi %mul3A_108, %add3A_109 : i32
      %mul3A_111 = arith.constant 16 : i32
      %mul3A_112 = arith.muli %add3A_110, %mul3A_111 : i32
      %swap3A_113 = arith.index_cast %mul3A_112 : i32 to index
      %swap3A_114 = tpu.vector_load %arg3[%swap3A_113] {strides = array<i32>} : memref<65536xf32, #tpu.memory_space<vmem>>, vector<16xf32>,
      %swap3A_115 = vector.shape_cast %swap3A_114 : vector<16xf32> to vector<16xf32>
      %swap3A_116 = vector.shape_cast %broadcast_in_dim3A_1 : vector<16xf32> to vector<16xf32>
      tpu.vector_store %arg3[%swap3A_113], %swap3A_116 {strides = array<i32>} : memref<65536xf32, #tpu.memory_space<vmem>>, vector<16xf32>,
      %mul3A_117 = arith.constant 16 : i32
      %mul3A_118 = arith.muli %scan3A_17, %mul3A_117 : i32
      %add3A_119 = arith.constant 10 : i32
      %add3A_120 = arith.addi %mul3A_118, %add3A_119 : i32
      %mul3A_121 = arith.constant 16 : i32
      %mul3A_122 = arith.muli %add3A_120, %mul3A_121 : i32
      %swap3A_123 = arith.index_cast %mul3A_122 : i32 to index
      %swap3A_124 = tpu.vector_load %arg3[%swap3A_123] {strides = array<i32>} : memref<65536xf32, #tpu.memory_space<vmem>>, vector<16xf32>,
      %swap3A_125 = vector.shape_cast %swap3A_124 : vector<16xf32> to vector<16xf32>
      %swap3A_126 = vector.shape_cast %broadcast_in_dim3A_1 : vector<16xf32> to vector<16xf32>
      tpu.vector_store %arg3[%swap3A_123], %swap3A_126 {strides = array<i32>} : memref<65536xf32, #tpu.memory_space<vmem>>, vector<16xf32>,
      %mul3A_127 = arith.constant 16 : i32
      %mul3A_128 = arith.muli %scan3A_17, %mul3A_127 : i32
      %add3A_129 = arith.constant 11 : i32
      %add3A_130 = arith.addi %mul3A_128, %add3A_129 : i32
      %mul3A_131 = arith.constant 16 : i32
      %mul3A_132 = arith.muli %add3A_130, %mul3A_131 : i32
      %swap3A_133 = arith.index_cast %mul3A_132 : i32 to index
      %swap3A_134 = tpu.vector_load %arg3[%swap3A_133] {strides = array<i32>} : memref<65536xf32, #tpu.memory_space<vmem>>, vector<16xf32>,
      %swap3A_135 = vector.shape_cast %swap3A_134 : vector<16xf32> to vector<16xf32>
      %swap3A_136 = vector.shape_cast %broadcast_in_dim3A_1 : vector<16xf32> to vector<16xf32>
      tpu.vector_store %arg3[%swap3A_133], %swap3A_136 {strides = array<i32>} : memref<65536xf32, #tpu.memory_space<vmem>>, vector<16xf32>,
      %mul3A_137 = arith.constant 16 : i32
      %mul3A_138 = arith.muli %scan3A_17, %mul3A_137 : i32
      %add3A_139 = arith.constant 12 : i32
      %add3A_140 = arith.addi %mul3A_138, %add3A_139 : i32
      %mul3A_141 = arith.constant 16 : i32
      %mul3A_142 = arith.muli %add3A_140, %mul3A_141 : i32
      %swap3A_143 = arith.index_cast %mul3A_142 : i32 to index
      %swap3A_144 = tpu.vector_load %arg3[%swap3A_143] {strides = array<i32>} : memref<65536xf32, #tpu.memory_space<vmem>>, vector<16xf32>,
      %swap3A_145 = vector.shape_cast %swap3A_144 : vector<16xf32> to vector<16xf32>
      %swap3A_146 = vector.shape_cast %broadcast_in_dim3A_1 : vector<16xf32> to vector<16xf32>
      tpu.vector_store %arg3[%swap3A_143], %swap3A_146 {strides = array<i32>} : memref<65536xf32, #tpu.memory_space<vmem>>, vector<16xf32>,
      %mul3A_147 = arith.constant 16 : i32
      %mul3A_148 = arith.muli %scan3A_17, %mul3A_147 : i32
      %add3A_149 = arith.constant 13 : i32
      %add3A_150 = arith.addi %mul3A_148, %add3A_149 : i32
      %mul3A_151 = arith.constant 16 : i32
      %mul3A_152 = arith.muli %add3A_150, %mul3A_151 : i32
      %swap3A_153 = arith.index_cast %mul3A_152 : i32 to index
      %swap3A_154 = tpu.vector_load %arg3[%swap3A_153] {strides = array<i32>} : memref<65536xf32, #tpu.memory_space<vmem>>, vector<16xf32>,
      %swap3A_155 = vector.shape_cast %swap3A_154 : vector<16xf32> to vector<16xf32>
      %swap3A_156 = vector.shape_cast %broadcast_in_dim3A_1 : vector<16xf32> to vector<16xf32>
      tpu.vector_store %arg3[%swap3A_153], %swap3A_156 {strides = array<i32>} : memref<65536xf32, #tpu.memory_space<vmem>>, vector<16xf32>,
      %mul3A_157 = arith.constant 16 : i32
      %mul3A_158 = arith.muli %scan3A_17, %mul3A_157 : i32
      %add3A_159 = arith.constant 14 : i32
      %add3A_160 = arith.addi %mul3A_158, %add3A_159 : i32
      %mul3A_161 = arith.constant 16 : i32
      %mul3A_162 = arith.muli %add3A_160, %mul3A_161 : i32
      %swap3A_163 = arith.index_cast %mul3A_162 : i32 to index
      %swap3A_164 = tpu.vector_load %arg3[%swap3A_163] {strides = array<i32>} : memref<65536xf32, #tpu.memory_space<vmem>>, vector<16xf32>,
      %swap3A_165 = vector.shape_cast %swap3A_164 : vector<16xf32> to vector<16xf32>
      %swap3A_166 = vector.shape_cast %broadcast_in_dim3A_1 : vector<16xf32> to vector<16xf32>
      tpu.vector_store %arg3[%swap3A_163], %swap3A_166 {strides = array<i32>} : memref<65536xf32, #tpu.memory_space<vmem>>, vector<16xf32>,
      %mul3A_167 = arith.constant 16 : i32
      %mul3A_168 = arith.muli %scan3A_17, %mul3A_167 : i32
      %add3A_169 = arith.constant 15 : i32
      %add3A_170 = arith.addi %mul3A_168, %add3A_169 : i32
      %mul3A_171 = arith.constant 16 : i32
      %mul3A_172 = arith.muli %add3A_170, %mul3A_171 : i32
      %swap3A_173 = arith.index_cast %mul3A_172 : i32 to index
      %swap3A_174 = tpu.vector_load %arg3[%swap3A_173] {strides = array<i32>} : memref<65536xf32, #tpu.memory_space<vmem>>, vector<16xf32>,
      %swap3A_175 = vector.shape_cast %swap3A_174 : vector<16xf32> to vector<16xf32>
      %swap3A_176 = vector.shape_cast %broadcast_in_dim3A_1 : vector<16xf32> to vector<16xf32>
      tpu.vector_store %arg3[%swap3A_173], %swap3A_176 {strides = array<i32>} : memref<65536xf32, #tpu.memory_space<vmem>>, vector<16xf32>,
    }
    %scan3A_6 = arith.constant 256 : i32
    %mul3A_7 = arith.constant 512 : i32
    %mul3A_8 = arith.muli %add3A, %mul3A_7 : i32
    %mul3A_9 = arith.constant 1024 : i32
    %mul3A_10 = arith.muli %mul3A_8, %mul3A_9 : i32
    %scan3A_11 = arith.constant 0 : i32
    %scan3A_12 = arith.constant 0 : i32
    %scan3A_13 = arith.constant 8 : i32
    %scan3A_14 = arith.addi %scan3A_12, %scan3A_13 : i32
    %scan3A_15 = arith.constant 1 : i32
    scf.for %scan3A_17 = %scan3A_12 to %scan3A_14 step %scan3A_15  : i32 {
      %mul3A_18 = arith.constant 65536 : i32
      %mul3A_19 = arith.muli %scan3A_17, %mul3A_18 : i32
      %add3A_20 = arith.addi %mul3A_10, %mul3A_19 : i32
      %dma_start3A = tpu.memref_slice %arg2[%add3A_20] : memref<16777216xf32, #tpu.memory_space<hbm>> -> memref<65536xf32, #tpu.memory_space<hbm>>
      %dma_start3A_21 = tpu.memref_slice %arg2[%add3A_20] : memref<16777216xf32, #tpu.memory_space<hbm>> -> memref<65536xf32, #tpu.memory_space<hbm>>
      tpu.enqueue_dma source(%arg3 : memref<65536xf32, #tpu.memory_space<vmem>>) target(%dma_start3A_21 : memref<65536xf32, #tpu.memory_space<hbm>>) target_semaphore(%arg4 : memref<!tpu.dma_semaphore, #tpu.memory_space<semaphore_mem>>)
      %dma_wait3A = tpu.memref_slice %arg2[%add3A_20] : memref<16777216xf32, #tpu.memory_space<hbm>> -> memref<65536xf32, #tpu.memory_space<hbm>>
      %dma_wait3A_22 = tpu.memref_slice %arg2[%add3A_20] : memref<16777216xf32, #tpu.memory_space<hbm>> -> memref<65536xf32, #tpu.memory_space<hbm>>
      tpu.wait_dma2 semaphore(%arg4 : memref<!tpu.dma_semaphore, #tpu.memory_space<semaphore_mem>>) src(%arg3 : memref<65536xf32, #tpu.memory_space<vmem>>) dst(%dma_wait3A_22 : memref<65536xf32, #tpu.memory_space<hbm>>)
    }
    %scan3A_16 = arith.constant 8 : i32
    return
  }
}

module attributes {stable_mosaic.version = 14 : i64} {
  func.func @_tc_kernel(%arg0: i32, %arg1: memref<1024x256xf32, #tpu.memory_space<vmem>>, %arg2: memref<256x1024xf32, #tpu.memory_space<vmem>>, %arg3: memref<256x1024xf32, #tpu.memory_space<vmem>>, %arg4: memref<1x1024xf32, #tpu.memory_space<vmem>>, %arg5: memref<1024x1024xf32, #tpu.memory_space<vmem>>, %arg6: memref<1024x1xi32, #tpu.memory_space<vmem>>, %arg7: memref<256x1024xf32, #tpu.memory_space<vmem>>, %arg8: memref<256x1024xf32, #tpu.memory_space<vmem>>, %arg9: memref<1x1024xf32, #tpu.memory_space<vmem>>) attributes {dimension_semantics = [#tpu.dimension_semantics<arbitrary>], iteration_bounds = array<i64: 16>, scalar_prefetch = 0 : i64, scratch_operands = 3 : i64, tpu.core_type = #tpu.core_type<tc>, window_params = [{transform_indices = @transform_0, window_bounds = array<i64: 1024, 256>}, {pipeline_mode = #tpu.pipeline_mode<synchronous>, transform_indices = @transform_1, window_bounds = array<i64: 256, 1024>}, {pipeline_mode = #tpu.pipeline_mode<synchronous>, transform_indices = @transform_2, window_bounds = array<i64: 256, 1024>}, {pipeline_mode = #tpu.pipeline_mode<synchronous>, transform_indices = @transform_3, window_bounds = array<i64: 1, 1024>}, {transform_indices = @transform_4, window_bounds = array<i64: 1024, 1024>}, {transform_indices = @transform_5, window_bounds = array<i64: 1024, 1>}]} {
    %eq3A = arith.constant 0 : i32
    %eq3A_0 = arith.cmpi eq, %arg0, %eq3A : i32
    %convert_element_type3A = arith.extui %eq3A_0 : i1 to i32
    %cond3A = arith.constant 0 : i32
    %cond3A_1 = arith.cmpi ne, %convert_element_type3A, %cond3A : i32
    scf.if %cond3A_1 {
      %get3A_47 = arith.constant 0 : index
      %get3A_48 = arith.constant 0 : index
      %get3A_49 = vector.load %arg2[%get3A_47, %get3A_48] : memref<256x1024xf32, #tpu.memory_space<vmem>>, vector<256x1024xf32>
      %get3A_50 = arith.constant 0 : index
      %get3A_51 = arith.constant 0 : index
      %get3A_52 = vector.load %arg3[%get3A_50, %get3A_51] : memref<256x1024xf32, #tpu.memory_space<vmem>>, vector<256x1024xf32>
      %neg3A = arith.constant 0.000000e+00 : f32
      %neg3A_53 = vector.broadcast %neg3A : f32 to vector<256x1024xf32>
      %neg3A_54 = arith.subf %neg3A_53, %get3A_49 : vector<256x1024xf32>
      %exp3A_55 = math.exp %neg3A_54 : vector<256x1024xf32>
      %mul3A_56 = arith.constant -5.000000e-01 : f32
      %mul3A_57 = vector.broadcast %mul3A_56 : f32 to vector<256x1024xf32>
      %mul3A_58 = arith.mulf %mul3A_57, %exp3A_55 : vector<256x1024xf32>
      %swap3A_59 = arith.constant 0 : index
      %swap3A_60 = arith.constant 0 : index
      %swap3A_61 = vector.load %arg7[%swap3A_59, %swap3A_60] : memref<256x1024xf32, #tpu.memory_space<vmem>>, vector<256x1024xf32>
      tpu.vector_store %arg7[%swap3A_59, %swap3A_60], %mul3A_58 {strides = array<i32>} : memref<256x1024xf32, #tpu.memory_space<vmem>>, vector<256x1024xf32>,
      %mul3A_62 = arith.mulf %get3A_52, %exp3A_55 : vector<256x1024xf32>
      %swap3A_63 = arith.constant 0 : index
      %swap3A_64 = arith.constant 0 : index
      %swap3A_65 = vector.load %arg8[%swap3A_63, %swap3A_64] : memref<256x1024xf32, #tpu.memory_space<vmem>>, vector<256x1024xf32>
      tpu.vector_store %arg8[%swap3A_63, %swap3A_64], %mul3A_62 {strides = array<i32>} : memref<256x1024xf32, #tpu.memory_space<vmem>>, vector<256x1024xf32>,
      %reduce_sum3A_66 = arith.constant dense<0.000000e+00> : vector<1024xf32>
      %reduce_sum3A_67 = vector.multi_reduction <add>, %get3A_49, %reduce_sum3A_66 [0] : vector<256x1024xf32> to vector<1024xf32>
      %broadcast_in_dim3A_68 = vector.shape_cast %reduce_sum3A_67 : vector<1024xf32> to vector<1x1024xf32>
      %mul3A_69 = arith.mulf %get3A_52, %get3A_52 : vector<256x1024xf32>
      %mul3A_70 = arith.mulf %mul3A_69, %exp3A_55 : vector<256x1024xf32>
      %reduce_sum3A_71 = arith.constant dense<0.000000e+00> : vector<1024xf32>
      %reduce_sum3A_72 = vector.multi_reduction <add>, %mul3A_70, %reduce_sum3A_71 [0] : vector<256x1024xf32> to vector<1024xf32>
      %broadcast_in_dim3A_73 = vector.shape_cast %reduce_sum3A_72 : vector<1024xf32> to vector<1x1024xf32>
      %get3A_74 = arith.constant 0 : index
      %get3A_75 = arith.constant 0 : index
      %get3A_76 = vector.load %arg4[%get3A_74, %get3A_75] : memref<1x1024xf32, #tpu.memory_space<vmem>>, vector<1x1024xf32>
      %log3A = math.log %get3A_76 : vector<1x1024xf32>
      %add3A_77 = arith.addf %broadcast_in_dim3A_68, %broadcast_in_dim3A_73 : vector<1x1024xf32>
      %add3A_78 = arith.constant 470.496521 : f32
      %add3A_79 = vector.broadcast %add3A_78 : f32 to vector<1x1024xf32>
      %add3A_80 = arith.addf %add3A_77, %add3A_79 : vector<1x1024xf32>
      %mul3A_81 = arith.constant 5.000000e-01 : f32
      %mul3A_82 = vector.broadcast %mul3A_81 : f32 to vector<1x1024xf32>
      %mul3A_83 = arith.mulf %mul3A_82, %add3A_80 : vector<1x1024xf32>
      %sub3A = arith.subf %log3A, %mul3A_83 : vector<1x1024xf32>
      %swap3A_84 = arith.constant 0 : index
      %swap3A_85 = arith.constant 0 : index
      %swap3A_86 = vector.load %arg9[%swap3A_84, %swap3A_85] : memref<1x1024xf32, #tpu.memory_space<vmem>>, vector<1x1024xf32>
      tpu.vector_store %arg9[%swap3A_84, %swap3A_85], %sub3A {strides = array<i32>} : memref<1x1024xf32, #tpu.memory_space<vmem>>, vector<1x1024xf32>,
    } else {
    }
    %get3A = arith.constant 0 : index
    %get3A_2 = arith.constant 0 : index
    %get3A_3 = vector.load %arg1[%get3A, %get3A_2] : memref<1024x256xf32, #tpu.memory_space<vmem>>, vector<1024x256xf32>
    %mul3A = arith.mulf %get3A_3, %get3A_3 : vector<1024x256xf32>
    %get3A_4 = arith.constant 0 : index
    %get3A_5 = arith.constant 0 : index
    %get3A_6 = vector.load %arg9[%get3A_4, %get3A_5] : memref<1x1024xf32, #tpu.memory_space<vmem>>, vector<1x1024xf32>
    %get3A_7 = arith.constant 0 : index
    %get3A_8 = arith.constant 0 : index
    %get3A_9 = vector.load %arg7[%get3A_7, %get3A_8] : memref<256x1024xf32, #tpu.memory_space<vmem>>, vector<256x1024xf32>
    %dot_general3A = arith.constant dense<0.000000e+00> : vector<1024x1024xf32>
    %dot_general3A_10 = tpu.matmul %mul3A, %get3A_9, %dot_general3A {dimension_numbers = #tpu.dot_dimension_numbers<[1], [0], [0], [1], [0, 0, 1, 1], [], []>, transpose_lhs_hint = false} : vector<1024x256xf32>, vector<256x1024xf32>, vector<1024x1024xf32> -> vector<1024x1024xf32>
    %add3A = vector.broadcast %get3A_6 : vector<1x1024xf32> to vector<1024x1024xf32>
    %add3A_11 = arith.addf %add3A, %dot_general3A_10 : vector<1024x1024xf32>
    %get3A_12 = arith.constant 0 : index
    %get3A_13 = arith.constant 0 : index
    %get3A_14 = vector.load %arg8[%get3A_12, %get3A_13] : memref<256x1024xf32, #tpu.memory_space<vmem>>, vector<256x1024xf32>
    %dot_general3A_15 = arith.constant dense<0.000000e+00> : vector<1024x1024xf32>
    %dot_general3A_16 = tpu.matmul %get3A_3, %get3A_14, %dot_general3A_15 {dimension_numbers = #tpu.dot_dimension_numbers<[1], [0], [0], [1], [0, 0, 1, 1], [], []>, transpose_lhs_hint = false} : vector<1024x256xf32>, vector<256x1024xf32>, vector<1024x1024xf32> -> vector<1024x1024xf32>
    %add3A_17 = arith.addf %add3A_11, %dot_general3A_16 : vector<1024x1024xf32>
    %exp3A = math.exp %add3A_17 : vector<1024x1024xf32>
    %add3A_18 = arith.constant 1.000000e-10 : f32
    %add3A_19 = vector.broadcast %add3A_18 : f32 to vector<1024x1024xf32>
    %add3A_20 = arith.addf %exp3A, %add3A_19 : vector<1024x1024xf32>
    %reduce_sum3A = arith.constant dense<0.000000e+00> : vector<1024xf32>
    %reduce_sum3A_21 = vector.multi_reduction <add>, %add3A_20, %reduce_sum3A [1] : vector<1024x1024xf32> to vector<1024xf32>
    %broadcast_in_dim3A = vector.shape_cast %reduce_sum3A_21 : vector<1024xf32> to vector<1024x1xf32>
    %div3A = arith.constant 1.000000e+00 : f32
    %div3A_22 = vector.broadcast %div3A : f32 to vector<1024x1xf32>
    %div3A_23 = arith.divf %div3A_22, %broadcast_in_dim3A : vector<1024x1xf32>
    %mul3A_24 = vector.broadcast %div3A_23 : vector<1024x1xf32> to vector<1024x1024xf32>
    %mul3A_25 = arith.mulf %add3A_20, %mul3A_24 : vector<1024x1024xf32>
    %swap3A = arith.constant 0 : index
    %swap3A_26 = arith.constant 0 : index
    %swap3A_27 = vector.load %arg5[%swap3A, %swap3A_26] : memref<1024x1024xf32, #tpu.memory_space<vmem>>, vector<1024x1024xf32>
    tpu.vector_store %arg5[%swap3A, %swap3A_26], %mul3A_25 {strides = array<i32>} : memref<1024x1024xf32, #tpu.memory_space<vmem>>, vector<1024x1024xf32>,
    %reduce_max3A = arith.constant dense<0xFF800000> : vector<1024xf32>
    %reduce_max3A_28 = vector.multi_reduction <maximumf>, %mul3A_25, %reduce_max3A [1] : vector<1024x1024xf32> to vector<1024xf32>
    %broadcast_in_dim3A_29 = vector.shape_cast %reduce_max3A_28 : vector<1024xf32> to vector<1024x1xf32>
    %iota3A = tpu.iota {dimensions = array<i32: 1>} : vector<1024x1024xi32>
    %eq3A_30 = vector.broadcast %broadcast_in_dim3A_29 : vector<1024x1xf32> to vector<1024x1024xf32>
    %eq3A_31 = arith.cmpf oeq, %mul3A_25, %eq3A_30 : vector<1024x1024xf32>
    %jit3A = arith.constant 1024 : i32
    %broadcast_in_dim3A_32 = vector.broadcast %jit3A : i32 to vector<1024x1024xi32>
    %select_n3A = arith.select %eq3A_31, %iota3A, %broadcast_in_dim3A_32 : vector<1024x1024xi1>, vector<1024x1024xi32>
    %reduce_min3A = arith.constant dense<2147483647> : vector<1024xi32>
    %reduce_min3A_33 = vector.multi_reduction <minsi>, %select_n3A, %reduce_min3A [1] : vector<1024x1024xi32> to vector<1024xi32>
    %broadcast_in_dim3A_34 = vector.shape_cast %reduce_min3A_33 : vector<1024xi32> to vector<1024x1xi32>
    %iota3A_35 = tpu.iota {dimensions = array<i32: 0>} : vector<1024x1xi32>
    %mul3A_36 = arith.constant 1024 : i32
    %mul3A_37 = arith.muli %arg0, %mul3A_36 : i32
    %add3A_38 = vector.broadcast %mul3A_37 : i32 to vector<1024x1xi32>
    %add3A_39 = arith.addi %iota3A_35, %add3A_38 : vector<1024x1xi32>
    %mul3A_40 = arith.constant 1024 : i32
    %mul3A_41 = vector.broadcast %mul3A_40 : i32 to vector<1024x1xi32>
    %mul3A_42 = arith.muli %add3A_39, %mul3A_41 : vector<1024x1xi32>
    %add3A_43 = arith.addi %broadcast_in_dim3A_34, %mul3A_42 : vector<1024x1xi32>
    %swap3A_44 = arith.constant 0 : index
    %swap3A_45 = arith.constant 0 : index
    %swap3A_46 = vector.load %arg6[%swap3A_44, %swap3A_45] : memref<1024x1xi32, #tpu.memory_space<vmem>>, vector<1024x1xi32>
    tpu.vector_store %arg6[%swap3A_44, %swap3A_45], %add3A_43 {strides = array<i32>} : memref<1024x1xi32, #tpu.memory_space<vmem>>, vector<1024x1xi32>,
    return
  }
  func.func @transform_0(%arg0: i32) -> (i32, i32) {
    %c0_i32 = arith.constant 0 : i32
    %c0_i32_0 = arith.constant 0 : i32
    return %arg0, %c0_i32 : i32, i32
  }
  func.func @transform_1(%arg0: i32) -> (i32, i32) {
    %c0_i32 = arith.constant 0 : i32
    %c0_i32_0 = arith.constant 0 : i32
    %c0_i32_1 = arith.constant 0 : i32
    return %c0_i32, %c0_i32_0 : i32, i32
  }
  func.func @transform_2(%arg0: i32) -> (i32, i32) {
    %c0_i32 = arith.constant 0 : i32
    %c0_i32_0 = arith.constant 0 : i32
    %c0_i32_1 = arith.constant 0 : i32
    return %c0_i32, %c0_i32_0 : i32, i32
  }
  func.func @transform_3(%arg0: i32) -> (i32, i32) {
    %c0_i32 = arith.constant 0 : i32
    %c0_i32_0 = arith.constant 0 : i32
    %c0_i32_1 = arith.constant 0 : i32
    return %c0_i32, %c0_i32_0 : i32, i32
  }
  func.func @transform_4(%arg0: i32) -> (i32, i32) {
    %c0_i32 = arith.constant 0 : i32
    %c0_i32_0 = arith.constant 0 : i32
    return %arg0, %c0_i32 : i32, i32
  }
  func.func @transform_5(%arg0: i32) -> (i32, i32) {
    %c0_i32 = arith.constant 0 : i32
    %c0_i32_0 = arith.constant 0 : i32
    return %arg0, %c0_i32 : i32, i32
  }
}

</mosaic_0001>

<sc_bundles>
// kernel: kernel.5.cloned.1.call-start
scs
__scs_entry_jumppad:
0x0: {  	(pc) =	sbr.rel $0x88, $3  }
0x1: {  	(tag) =	ssettag $0x0;
	lr =	simm.s32 $0x1  }
0x2: {  	[smem:$0x3F9D] =	sst lr;
	_ =	strace $0xD0000000  }
0x3: {  	_ = 	snop  }
0x4: {  	_ = 	snop  }
0x5: {  	_ = 	snop  }
0x6: {  	_ = 	snop  }
0x7: {  	_ = 	snop  }
__scs_overlays_trampoline_lowered:
0x8: {  	[smem:$0x3FAC] =	sst s0  }
0x9: {  	[smem:$0x3FAD] =	sst s1  }
0xa: {  	[smem:$0x3FAE] =	sst s2  }
0xb: {  	[smem:$0x3FAF] =	sst s3  }
0xc: {  	[smem:$0x3FB0] =	sst s4  }
0xd: {  	[smem:$0x3FB1] =	sst s5  }
0xe: {  	[smem:$0x3FB2] =	sst s6  }
0xf: {  	[smem:$0x3FB3] =	sst s7  }
0x10: {  	[smem:$0x3FB4] =	sst s8  }
0x11: {  	[smem:$0x3FB5] =	sst s9;
	s0 =	simm.s32 @!p0 $0x0  }
0x12: {  	s1 =	sld [smem:$0x3F9B];
	s0 =	simm.s32 @p0 $0x1  }
0x13: {  	[smem:$0x3FB6] =	sst s0;
	s0 =	simm.s32 @!p1 $0x0  }
0x14: {  	s2 =	sld [smem:$0x3F9A];
	s0 =	simm.s32 @p1 $0x1  }
0x15: {  	[smem:$0x3FB7] =	sst s0;
	s0 =	simm.s32 @!p2 $0x0  }
0x16: {  	s3 =	sld [smem:$0x3FDB];
	s0 =	simm.s32 @p2 $0x1  }
0x17: {  	s4 =	simm.s32 $0x1BF5;
	[smem:$0x3FB9] =	sst s0  }
0x18: {  	s0 =	sld [smem:$0x3F9C];
	_ =	swait.ge [sflag:s4], $0x0  }
0x19: {  	s7 =	sld [smem:$0x3F9D]  }
0x1a: {  	s8 =	sadd.s32 $0xFFFFE003, lr  }
0x1b: {  	s9 =	sadd.s32 $0xFFFFFEF7, lr;
	s5 =	simm.s32 $0xFFFFFFFF;
	p2 =	slt.u32 s8, $0xFFFFF086  }
0x1c: {  	p1 =	slt.u32 s9, $0xF7A;
	s5 =	simm.s32 @!p2 $0x0  }
0x1d: {  	s5 =	simm.s32 @p1 $0x1;
	p0 =	seq.s32 s7, s2  }
0x1e: {  	s7 =	smul.u32 @!p0 $0xF7A, s2;
	p2 =	seq.s32 @!p0 s5, $0x0  }
0x1f: {  	s9 =	smul.u32 $0xF7A, s1;
	s8 =	simm.s32 @!p0 $0x1BF5;
	p2 =	por !p2, p0  }
0x20: {  	[sflag:s8] =	ssyncset.s32 @!p0 $0xFFFFF086;
	s6 =	sadd.s32 @!p0 s3, s7;
	s7 =	simm.s32 @!p0 $0x108  }
0x21: {  	s3 =	sadd.s32 s3, s9;
	s6 =	sadd.s32 @!p0 $0x88, s6;
	s7 =	simm.s32 @p2 $0x1082  }
0x22: {  	[simem:s7], [sflag:s8] =	dma.local @!p0 [hbm:s6], $0xF7A  }
0x23: {  	s9 =	sor.u32 $0xD0000000, s2;
	s6 =	simm.s32 $0x108;
	_ =	swait.ge @!p0 [sflag:s8], $0x0  }
0x24: {  	s3 =	sadd.s32 $0x88, s3;
	s6 =	simm.s32 @!p1 $0x1082;
	[sflag:s4] =	ssyncset.s32 $0xFFFFF086  }
0x25: {  	[simem:s6], [sflag:s4] =	dma.local [hbm:s3], $0xF7A  }
0x26: {  	[smem:$0x3F9D] =	sst s1;
	(tag) =	ssettag s2;
	_ =	strace s9  }
0x27: {  	s1 =	sld [smem:$0x3FAD]  }
0x28: {  	s2 =	sld [smem:$0x3FAE]  }
0x29: {  	s4 =	sld [smem:$0x3FB0]  }
0x2a: {  	p0 =	seq.s32 s5, $0x0;
	s5 =	sld [smem:$0x3FB1]  }
0x2b: {  	s6 =	sld [smem:$0x3FB2]  }
0x2c: {  	s7 =	sld [smem:$0x3FB3]  }
0x2d: {  	s3 =	simm.s32 $0x108;
	s8 =	sld [smem:$0x3FB4]  }
0x2e: {  	s3 =	simm.s32 @!p0 $0x1082;
	s9 =	sld [smem:$0x3FB5]  }
0x2f: {  	lr =	sadd.s32 s0, s3;
	s0 =	sld [smem:$0x3FAC]  }
0x30: {  	s3 =	sld [smem:$0x3FAF]  }
0x31: {  	[smem:$0x3FB8] =	sst s10  }
0x32: {  	s10 =	sld [smem:$0x3FB6];
	_ =	sdelay $0x3  }
0x33: {  	p0 =	seq.s32 s10, $0x1;
	s10 =	sld [smem:$0x3FB8];
	_ =	sdelay $0x3  }
0x34: {  	[smem:$0x3FB8] =	sst s10  }
0x35: {  	s10 =	sld [smem:$0x3FB7];
	_ =	sdelay $0x3  }
0x36: {  	p1 =	seq.s32 s10, $0x1;
	s10 =	sld [smem:$0x3FB8];
	_ =	sdelay $0x3  }
0x37: {  	[smem:$0x3FB8] =	sst s10  }
0x38: {  	s10 =	sld [smem:$0x3FB9]  }
0x39: {  	_ = 	snop;
	(pc) =	sbr.ind lr, $3  }
0x3a: {  	_ = 	snop  }
0x3b: {  	_ = 	snop  }
0x3c: {  	p2 =	seq.s32 s10, $0x1;
	s10 =	sld [smem:$0x3FB8]  }
0x3d: {  	_ =	shalt  }
0x3e: {  	_ =	shalt  }
0x3f: {  	_ =	shalt  }
0x40: {  	_ =	shalt  }
0x41: {  	_ =	shalt  }
0x42: {  	_ =	shalt  }
0x43: {  	_ =	shalt  }
0x44: {  	_ =	shalt  }
0x45: {  	_ =	shalt  }
0x46: {  	_ =	shalt  }
0x47: {  	_ =	shalt  }
0x48: {  	_ =	shalt  }
0x49: {  	_ =	shalt  }
0x4a: {  	_ =	shalt  }
0x4b: {  	_ =	shalt  }
0x4c: {  	_ =	shalt  }
0x4d: {  	_ =	shalt  }
0x4e: {  	_ =	shalt  }
0x4f: {  	_ =	shalt  }
0x50: {  	_ =	shalt  }
0x51: {  	_ =	shalt  }
0x52: {  	_ =	shalt  }
0x53: {  	_ =	shalt  }
0x54: {  	_ =	shalt  }
0x55: {  	_ =	shalt  }
0x56: {  	_ =	shalt  }
0x57: {  	_ =	shalt  }
0x58: {  	_ =	shalt  }
0x59: {  	_ =	shalt  }
0x5a: {  	_ =	shalt  }
0x5b: {  	_ =	shalt  }
0x5c: {  	_ =	shalt  }
0x5d: {  	_ =	shalt  }
0x5e: {  	_ =	shalt  }
0x5f: {  	_ =	shalt  }
0x60: {  	_ =	shalt  }
0x61: {  	_ =	shalt  }
0x62: {  	_ =	shalt  }
0x63: {  	_ =	shalt  }
0x64: {  	_ =	shalt  }
0x65: {  	_ =	shalt  }
0x66: {  	_ =	shalt  }
0x67: {  	_ =	shalt  }
0x68: {  	_ =	shalt  }
0x69: {  	_ =	shalt  }
0x6a: {  	_ =	shalt  }
0x6b: {  	_ =	shalt  }
0x6c: {  	_ =	shalt  }
0x6d: {  	_ =	shalt  }
0x6e: {  	_ =	shalt  }
0x6f: {  	_ =	shalt  }
0x70: {  	_ =	shalt  }
0x71: {  	_ =	shalt  }
0x72: {  	_ =	shalt  }
0x73: {  	_ =	shalt  }
0x74: {  	_ =	shalt  }
0x75: {  	_ =	shalt  }
0x76: {  	_ =	shalt  }
0x77: {  	_ =	shalt  }
0x78: {  	_ =	shalt  }
0x79: {  	_ =	shalt  }
0x7a: {  	_ =	shalt  }
0x7b: {  	_ =	shalt  }
0x7c: {  	_ =	shalt  }
0x7d: {  	_ =	shalt  }
0x7e: {  	_ =	shalt  }
0x7f: {  	_ =	shalt  }
0x80: {  	_ =	shalt  }
0x81: {  	_ =	shalt  }
0x82: {  	_ =	shalt  }
0x83: {  	_ =	shalt  }
0x84: {  	_ =	shalt  }
0x85: {  	_ =	shalt  }
0x86: {  	_ =	shalt  }
0x87: {  	_ =	shalt  }
.Lfunc_end0:
.L_simem_size_0:
called_computation_lowered:
.L_overlay_start_0:
0x88: {  	s2 =	sld [smem:$0x3FD9]  }
0x89: {  	s3 =	sld [smem:$0x3FFE];
	_ =	sdelay $0x1  }
0x8a: {  	s1 =	srdreg.scid  }
0x8b: {  	s0 =	sand.u32 $0x1, s1  }
0x8c: {  	s16 =	sshll.u32 s0, $0xA;
	s2 =	sadd.s32 s3, s2  }
0x8d: {  	s2 =	sadd.s32 s2, s16  }
0x8e: {  	[smem:$0x3FC4] =	sst s2  }
0x8f: {  	_ = 	snop  }
0x90: {  	(tm) =	ssettm $0x1  }
0x91: {  	s17 =	sld [smem:$0x3FFB];
	_ =	sdelay $0x3  }
0x92: {  	_ =	strace s17  }
0x93: {  	s2 =	sld [smem:$0x3FFC];
	_ =	sdelay $0x3  }
0x94: {  	_ =	strace s2  }
0x95: {  	s2 =	sld [smem:$0x3FFD];
	_ =	sdelay $0x3  }
0x96: {  	_ =	strace s2  }
0x97: {  	_ =	strace $0x8FFFFFFF  }
0x98: {  	s18 =	sld [smem:$0x3FDB];
	_ =	sdelay $0x1  }
0x99: {  	s19 =	simm.s32 $_scs_section_size  }
0x9a: {  	s4 =	simm.s32 $_size__tile_overlayer_lowered;
	s5 =	simm.s32 $_tile_overlayer_lowered  }
0x9b: {  	s22 =	simm.s32 $0x1BFF;
	s21 =	sshll.u32 s5, $0x1;
	s2 =	sadd.s32 s19, s18  }
0x9c: {  	s6 =	simm.s32 $0x0;
	s20 =	sshll.u32 s4, $0x1;
	s4 =	sadd.s32 s21, s2  }
0x9d: {  	[timem:s6], [sflag:s22] =	dma.local [hbm:s4], s20  }
0x9e: {  	_ =	swait.ge [sflag:s22], s20  }
0x9f: {  	s3 =	ssub.s32 $0x0, s20;
	[sflag:s22] =	ssyncset.done $0x0  }
0xa0: {  	[sflag:s22] =	ssyncadd.s32 s3;
	_ =	sdelay $0x1  }
0xa1: {  	s23 =	simm.s32 $0x1B8B  }
0xa2: {  	_ =	swait.ge [sflag:s23], $0x1  }
0xa3: {  	[sflag:s23] =	ssyncset.done $0x0  }
0xa4: {  	s25 =	simm.s32 $0x1B8E;
	s24 =	sld [smem:$0x3FFE];
	[sflag:s23] =	ssyncadd.s32 $0xFFFFFFFF  }
0xa5: {  	s26 =	simm.s32 $execute0_lowered;
	[smem:$0x3FD2] =	sst s25  }
0xa6: {  	s4 =	sshll.u32 s26, $0x1;
	_ =	strace $0x80000046;
	[dreg:$0x1] =	wrdreg $0xFFFFFFFF  }
0xa7: {  	s28 =	simm.s32 $_size_execute0_lowered;
	s2 =	sadd.s32 s2, s4;
	[dreg:$0x0] =	wrdreg $0x0  }
0xa8: {  	s4 =	sshll.u32 s28, $0x1;
	[dreg:$0x2] =	wrdreg s2  }
0xa9: {  	[dreg:$0x3] =	wrdreg s4  }
0xaa: {  	[dreg:$0x4] =	wrdreg $0xC0  }
0xab: {  	_ =	task [dreg:s6], $0x5FFFF  }
0xac: {  	[dreg:$0x1] =	wrdreg $0xFFFFFFFF  }
0xad: {  	[dreg:$0x0] =	wrdreg $0x60  }
0xae: {  	[dreg:$0x2] =	wrdreg s24  }
0xaf: {  	[dreg:$0x3] =	wrdreg $0x9  }
0xb0: {  	_ =	task.clear_ibuf [dreg:s6], $0x4FFFF;
	_ =	strace $0x90000046  }
0xb1: {  	s29 =	simm.s32 $0x9;
	_ =	strace $0x80000048  }
0xb2: {  	_ =	swait.ge [sflag:s29], $0x1  }
0xb3: {  	[sflag:s29] =	ssyncadd.s32 $0xFFFFFFFF  }
0xb4: {  	_ =	strace $0x90000048  }
0xb5: {  	_ =	sfence  }
0xb6: {  	s30 =	sld [smem:$0x0];
	_ =	sdelay $0x2  }
0xb7: {  	s31 =	sshll.u32 s1, $0xD;
	s1 =	sshrl.u32 s1, $0x2  }
0xb8: {  	s3 =	sand.u32 $0x4000, s31;
	s1 =	sadd.s32 s1, s30  }
0xb9: {  	s0 =	sor.u32 s3, s0;
	s1 =	sshll.u32 s1, $0x11  }
0xba: {  	s0 =	sor.u32 s1, s0  }
0xbb: {  	s0 =	sadd.s32 $0x8F2B, s0  }
0xbc: {  	[sflag:s0] =	ssyncadd.remote.s32 $0x1  }
0xbd: {  	_ =	sfence.sel $0xFFFF  }
0xbe: {  	[dreg:$0x0] =	wrdreg $0xFFFFFFFF;
	(pc) =	sbr.abs _section_cstart, $3  }
0xbf: {  	[dreg:$0x1] =	wrdreg $0xFFFFFFFF  }
0xc0: {  	_ =	task.clear_ibuf [dreg:s6], $0x2FFFF;
	_ =	strace $0x9FFFFFFF  }
0xc1: {  	(tm) =	ssettm $0x7FFFFFFF  }
tec
execute0_lowered:
.L_overlay_start_1:
0x0: {  	(tag) =	ssettag $0x1  }
0x1: {  	s3 =	rddreg [dreg:$0x0];
	s1 =	srdreg.scid  }
0x2: {  	s0 =	rddreg [dreg:$0x1];
	s2 =	simm.s32 $0x0;
	s12 =	simm.s32 $0x1  }
0x3: {  	s13 =	simm.s32 $0x0;
	s4 =	sand.u32 $0x1, s1;
	s1 =	stileid.u32  }
0x4: {  	[smem:$0x7FF] =	sst s2;
	s5 =	sshll.u32 s4, $0x10;
	s4 =	ssub.s32 $0x2, s4  }
0x5: {  	s6 =	sshll.u32 s1, $0x11;
	s3 =	sadd.s32 s5, s3;
	s31 =	sshrl.u32 s4, $0x1  }
0x6: {  	_ =	strace $0x80000047;
	s4 =	ssub.s32 s4, s31;
	s11 =	sadd.s32 s6, s3  }
0x7: {  	s3 =	sadd.s32 $0xC00, s11;
	s4 =	smax.u32 s4, $0x1;
	s5 =	sadd.s32 $0x2C00, s11  }
0x8: {  	s6 =	sadd.s32 $0x4C00, s11;
	s7 =	sadd.s32 $0x6C00, s11;
	s8 =	sadd.s32 $0x8C00, s11  }
0x9: {  	v0 =	vimm.f32 $0.0e+00;
	s9 =	sadd.s32 $0xAC00, s11;
	s10 =	sadd.s32 $0xCC00, s11;
	s11 =	sadd.s32 $0xEC00, s11  }
.LBB2_1:
0xa: {  	s14 =	simm.s32 $0x0;
	s15 =	simm.s32 $0x400  }
.LBB2_2:
0xb: {  	p0 =	sne.s32 s15, $0x3FC00;
	[tilespmem:s14+$0xF0] =	vst v0  }
0xc: {  	[tilespmem:s14+$0x0] =	vst v0  }
0xd: {  	[tilespmem:s14+$0x10] =	vst v0  }
0xe: {  	[tilespmem:s14+$0x20] =	vst v0  }
0xf: {  	[tilespmem:s14+$0x30] =	vst v0  }
0x10: {  	[tilespmem:s14+$0x40] =	vst v0  }
0x11: {  	[tilespmem:s14+$0x50] =	vst v0  }
0x12: {  	[tilespmem:s14+$0x60] =	vst v0  }
0x13: {  	[tilespmem:s14+$0x70] =	vst v0  }
0x14: {  	[tilespmem:s14+$0x80] =	vst v0  }
0x15: {  	[tilespmem:s14+$0x90] =	vst v0  }
.Ltmp0:
0x16: {  	[tilespmem:s14+$0xA0] =	vst v0;
	(pc) =	sbr.rel @p0 .LBB2_2-.Ltmp0, $4  }
0x17: {  	[tilespmem:s14+$0xB0] =	vst v0  }
0x18: {  	[tilespmem:s14+$0xC0] =	vst v0  }
0x19: {  	[tilespmem:s14+$0xD0] =	vst v0  }
0x1a: {  	[tilespmem:s14+$0xE0] =	vst v0;
	s14 =	sshra.s32 s15, $0x2;
	s15 =	sadd.s32 $0x400, s15  }
0x1b: {  	[tilespmem:s14+$0xF0] =	vst v0  }
0x1c: {  	[tilespmem:s14+$0x0] =	vst v0  }
0x1d: {  	[tilespmem:s14+$0x10] =	vst v0  }
0x1e: {  	[tilespmem:s14+$0x20] =	vst v0  }
0x1f: {  	[tilespmem:s14+$0x30] =	vst v0  }
0x20: {  	[tilespmem:s14+$0x40] =	vst v0  }
0x21: {  	[tilespmem:s14+$0x50] =	vst v0  }
0x22: {  	[tilespmem:s14+$0x60] =	vst v0  }
0x23: {  	[tilespmem:s14+$0x70] =	vst v0  }
0x24: {  	[tilespmem:s14+$0x80] =	vst v0  }
0x25: {  	[tilespmem:s14+$0x90] =	vst v0  }
0x26: {  	[tilespmem:s14+$0xA0] =	vst v0  }
0x27: {  	[tilespmem:s14+$0xB0] =	vst v0  }
0x28: {  	[tilespmem:s14+$0xC0] =	vst v0  }
0x29: {  	[tilespmem:s14+$0xD0] =	vst v0  }
0x2a: {  	[tilespmem:s14+$0xE0] =	vst v0  }
0x2b: {  	[hbm4b:s3+s2] =	stream.linear.scatter [tilespmem:s2], [sflag:$0x1], $0x10000, $0x38;
	[tilespmem:$0x10000] =	vst v63  }
0x2c: {  	_ =	swait.ge [sflag:s12], $0x10000  }
0x2d: {  	[sflag:s12] =	ssyncset.done $0x0  }
0x2e: {  	[sflag:s12] =	ssyncadd.s32 $0xFFFF0000  }
0x2f: {  	[hbm4b:s5+s2] =	stream.linear.scatter [tilespmem:s2], [sflag:$0x1], $0x10000, $0x38;
	[tilespmem:$0x10000] =	vst v63  }
0x30: {  	_ =	swait.ge [sflag:s12], $0x10000  }
0x31: {  	[sflag:s12] =	ssyncset.done $0x0  }
0x32: {  	[sflag:s12] =	ssyncadd.s32 $0xFFFF0000  }
0x33: {  	[hbm4b:s6+s2] =	stream.linear.scatter [tilespmem:s2], [sflag:$0x1], $0x10000, $0x38;
	[tilespmem:$0x10000] =	vst v63  }
0x34: {  	_ =	swait.ge [sflag:s12], $0x10000  }
0x35: {  	[sflag:s12] =	ssyncset.done $0x0  }
0x36: {  	[sflag:s12] =	ssyncadd.s32 $0xFFFF0000  }
0x37: {  	[hbm4b:s7+s2] =	stream.linear.scatter [tilespmem:s2], [sflag:$0x1], $0x10000, $0x38;
	[tilespmem:$0x10000] =	vst v63  }
0x38: {  	_ =	swait.ge [sflag:s12], $0x10000  }
0x39: {  	[sflag:s12] =	ssyncset.done $0x0  }
0x3a: {  	[sflag:s12] =	ssyncadd.s32 $0xFFFF0000  }
0x3b: {  	[hbm4b:s8+s2] =	stream.linear.scatter [tilespmem:s2], [sflag:$0x1], $0x10000, $0x38;
	[tilespmem:$0x10000] =	vst v63  }
0x3c: {  	_ =	swait.ge [sflag:s12], $0x10000  }
0x3d: {  	[sflag:s12] =	ssyncset.done $0x0  }
0x3e: {  	[sflag:s12] =	ssyncadd.s32 $0xFFFF0000  }
0x3f: {  	[hbm4b:s9+s2] =	stream.linear.scatter [tilespmem:s2], [sflag:$0x1], $0x10000, $0x38;
	[tilespmem:$0x10000] =	vst v63  }
0x40: {  	_ =	swait.ge [sflag:s12], $0x10000  }
0x41: {  	[sflag:s12] =	ssyncset.done $0x0  }
0x42: {  	[sflag:s12] =	ssyncadd.s32 $0xFFFF0000  }
0x43: {  	[hbm4b:s10+s2] =	stream.linear.scatter [tilespmem:s2], [sflag:$0x1], $0x10000, $0x38;
	[tilespmem:$0x10000] =	vst v63  }
0x44: {  	s13 =	sadd.s32 $0x1, s13;
	_ =	swait.ge [sflag:s12], $0x10000  }
0x45: {  	p0 =	sne.s32 s13, s4;
	[sflag:s12] =	ssyncset.done $0x0  }
.Ltmp1:
0x46: {  	[sflag:s12] =	ssyncadd.s32 $0xFFFF0000;
	(pc) =	sbr.rel @p0 .LBB2_1-.Ltmp1, $4  }
0x47: {  	[hbm4b:s11+s2] =	stream.linear.scatter [tilespmem:s2], [sflag:$0x1], $0x10000, $0x38;
	[tilespmem:$0x10000] =	vst v63  }
0x48: {  	_ =	swait.ge [sflag:s12], $0x10000  }
0x49: {  	[sflag:s12] =	ssyncset.done $0x0  }
0x4a: {  	[sflag:s12] =	ssyncadd.s32 $0xFFFF0000  }
0x4b: {  	_ =	sfence.sel $0x180000  }
0x4c: {  	[bflag:$0x0] =	sbarrier.arrive $0xFFFF  }
0x4d: {  	p0 =	sne.s32 s1, $0x0;
	_ =	strace $0x90000047  }
0x4e: {  	s0 =	sadd.s32 @!p0 $0x100000, s0;
	[bflag:$0x2] =	sbarrier.arrive $0xFFFF  }
0x4f: {  	[sflag:s0] =	ssyncadd.tile.s32 @!p0 $0x1;
	_ =	shalt  }
.Lfunc_end2:
_tile_overlayer_lowered:
.L_overlay_start_2:
0x50: {  	(tag) =	ssettag $0x2  }
0x51: {  	s0 =	rddreg [dreg:$0x0];
	s2 =	stileid.u32  }
0x52: {  	s1 =	rddreg [dreg:$0x1];
	p0 =	sne.s32 s2, $0x0  }
0x53: {  	s3 =	rddreg [dreg:$0x2];
	[bflag:$0x3] =	sbarrier.arrive $0xFFFF;
	s2 =	simm.s32 @!p0 $0x1C02  }
0x54: {  	[timem:s3], [sflag:s2] =	dma.local @!p0 [hbm:s0], s1  }
0x55: {  	s0 =	simm.s32 @!p0 $0x2  }
0x56: {  	_ =	swait.ge @!p0 [sflag:s0], s1  }
0x57: {  	s1 =	ssub.s32 @!p0 $0x0, s1;
	[sflag:s0] =	ssyncset.done @!p0 $0x0  }
0x58: {  	[sflag:s0] =	ssyncadd.s32 @!p0 s1  }
0x59: {  	[bflag:$0x3] =	sbarrier.arrive $0xFFFF  }
0x5a: {  	_ =	shalt  }

// kernel: kernel.8.cloned.1.call-start
scs
__scs_entry_jumppad:
0x0: {  	(pc) =	sbr.rel $0x88, $3  }
0x1: {  	(tag) =	ssettag $0x0;
	lr =	simm.s32 $0x1  }
0x2: {  	[smem:$0x3F9D] =	sst lr;
	_ =	strace $0xD0000000  }
0x3: {  	_ = 	snop  }
0x4: {  	_ = 	snop  }
0x5: {  	_ = 	snop  }
0x6: {  	_ = 	snop  }
0x7: {  	_ = 	snop  }
__scs_overlays_trampoline_lowered:
0x8: {  	[smem:$0x3FAC] =	sst s0  }
0x9: {  	[smem:$0x3FAD] =	sst s1  }
0xa: {  	[smem:$0x3FAE] =	sst s2  }
0xb: {  	[smem:$0x3FAF] =	sst s3  }
0xc: {  	[smem:$0x3FB0] =	sst s4  }
0xd: {  	[smem:$0x3FB1] =	sst s5  }
0xe: {  	[smem:$0x3FB2] =	sst s6  }
0xf: {  	[smem:$0x3FB3] =	sst s7  }
0x10: {  	[smem:$0x3FB4] =	sst s8  }
0x11: {  	[smem:$0x3FB5] =	sst s9;
	s0 =	simm.s32 @!p0 $0x0  }
0x12: {  	s1 =	sld [smem:$0x3F9B];
	s0 =	simm.s32 @p0 $0x1  }
0x13: {  	[smem:$0x3FB6] =	sst s0;
	s0 =	simm.s32 @!p1 $0x0  }
0x14: {  	s2 =	sld [smem:$0x3F9A];
	s0 =	simm.s32 @p1 $0x1  }
0x15: {  	[smem:$0x3FB7] =	sst s0;
	s0 =	simm.s32 @!p2 $0x0  }
0x16: {  	s3 =	sld [smem:$0x3FDB];
	s0 =	simm.s32 @p2 $0x1  }
0x17: {  	s4 =	simm.s32 $0x1BF5;
	[smem:$0x3FB9] =	sst s0  }
0x18: {  	s0 =	sld [smem:$0x3F9C];
	_ =	swait.ge [sflag:s4], $0x0  }
0x19: {  	s7 =	sld [smem:$0x3F9D]  }
0x1a: {  	s8 =	sadd.s32 $0xFFFFE003, lr  }
0x1b: {  	s9 =	sadd.s32 $0xFFFFFEF7, lr;
	s5 =	simm.s32 $0xFFFFFFFF;
	p2 =	slt.u32 s8, $0xFFFFF086  }
0x1c: {  	p1 =	slt.u32 s9, $0xF7A;
	s5 =	simm.s32 @!p2 $0x0  }
0x1d: {  	s5 =	simm.s32 @p1 $0x1;
	p0 =	seq.s32 s7, s2  }
0x1e: {  	s7 =	smul.u32 @!p0 $0xF7A, s2;
	p2 =	seq.s32 @!p0 s5, $0x0  }
0x1f: {  	s9 =	smul.u32 $0xF7A, s1;
	s8 =	simm.s32 @!p0 $0x1BF5;
	p2 =	por !p2, p0  }
0x20: {  	[sflag:s8] =	ssyncset.s32 @!p0 $0xFFFFF086;
	s6 =	sadd.s32 @!p0 s3, s7;
	s7 =	simm.s32 @!p0 $0x108  }
0x21: {  	s3 =	sadd.s32 s3, s9;
	s6 =	sadd.s32 @!p0 $0x88, s6;
	s7 =	simm.s32 @p2 $0x1082  }
0x22: {  	[simem:s7], [sflag:s8] =	dma.local @!p0 [hbm:s6], $0xF7A  }
0x23: {  	s9 =	sor.u32 $0xD0000000, s2;
	s6 =	simm.s32 $0x108;
	_ =	swait.ge @!p0 [sflag:s8], $0x0  }
0x24: {  	s3 =	sadd.s32 $0x88, s3;
	s6 =	simm.s32 @!p1 $0x1082;
	[sflag:s4] =	ssyncset.s32 $0xFFFFF086  }
0x25: {  	[simem:s6], [sflag:s4] =	dma.local [hbm:s3], $0xF7A  }
0x26: {  	[smem:$0x3F9D] =	sst s1;
	(tag) =	ssettag s2;
	_ =	strace s9  }
0x27: {  	s1 =	sld [smem:$0x3FAD]  }
0x28: {  	s2 =	sld [smem:$0x3FAE]  }
0x29: {  	s4 =	sld [smem:$0x3FB0]  }
0x2a: {  	p0 =	seq.s32 s5, $0x0;
	s5 =	sld [smem:$0x3FB1]  }
0x2b: {  	s6 =	sld [smem:$0x3FB2]  }
0x2c: {  	s7 =	sld [smem:$0x3FB3]  }
0x2d: {  	s3 =	simm.s32 $0x108;
	s8 =	sld [smem:$0x3FB4]  }
0x2e: {  	s3 =	simm.s32 @!p0 $0x1082;
	s9 =	sld [smem:$0x3FB5]  }
0x2f: {  	lr =	sadd.s32 s0, s3;
	s0 =	sld [smem:$0x3FAC]  }
0x30: {  	s3 =	sld [smem:$0x3FAF]  }
0x31: {  	[smem:$0x3FB8] =	sst s10  }
0x32: {  	s10 =	sld [smem:$0x3FB6];
	_ =	sdelay $0x3  }
0x33: {  	p0 =	seq.s32 s10, $0x1;
	s10 =	sld [smem:$0x3FB8];
	_ =	sdelay $0x3  }
0x34: {  	[smem:$0x3FB8] =	sst s10  }
0x35: {  	s10 =	sld [smem:$0x3FB7];
	_ =	sdelay $0x3  }
0x36: {  	p1 =	seq.s32 s10, $0x1;
	s10 =	sld [smem:$0x3FB8];
	_ =	sdelay $0x3  }
0x37: {  	[smem:$0x3FB8] =	sst s10  }
0x38: {  	s10 =	sld [smem:$0x3FB9]  }
0x39: {  	_ = 	snop;
	(pc) =	sbr.ind lr, $3  }
0x3a: {  	_ = 	snop  }
0x3b: {  	_ = 	snop  }
0x3c: {  	p2 =	seq.s32 s10, $0x1;
	s10 =	sld [smem:$0x3FB8]  }
0x3d: {  	_ =	shalt  }
0x3e: {  	_ =	shalt  }
0x3f: {  	_ =	shalt  }
0x40: {  	_ =	shalt  }
0x41: {  	_ =	shalt  }
0x42: {  	_ =	shalt  }
0x43: {  	_ =	shalt  }
0x44: {  	_ =	shalt  }
0x45: {  	_ =	shalt  }
0x46: {  	_ =	shalt  }
0x47: {  	_ =	shalt  }
0x48: {  	_ =	shalt  }
0x49: {  	_ =	shalt  }
0x4a: {  	_ =	shalt  }
0x4b: {  	_ =	shalt  }
0x4c: {  	_ =	shalt  }
0x4d: {  	_ =	shalt  }
0x4e: {  	_ =	shalt  }
0x4f: {  	_ =	shalt  }
0x50: {  	_ =	shalt  }
0x51: {  	_ =	shalt  }
0x52: {  	_ =	shalt  }
0x53: {  	_ =	shalt  }
0x54: {  	_ =	shalt  }
0x55: {  	_ =	shalt  }
0x56: {  	_ =	shalt  }
0x57: {  	_ =	shalt  }
0x58: {  	_ =	shalt  }
0x59: {  	_ =	shalt  }
0x5a: {  	_ =	shalt  }
0x5b: {  	_ =	shalt  }
0x5c: {  	_ =	shalt  }
0x5d: {  	_ =	shalt  }
0x5e: {  	_ =	shalt  }
0x5f: {  	_ =	shalt  }
0x60: {  	_ =	shalt  }
0x61: {  	_ =	shalt  }
0x62: {  	_ =	shalt  }
0x63: {  	_ =	shalt  }
0x64: {  	_ =	shalt  }
0x65: {  	_ =	shalt  }
0x66: {  	_ =	shalt  }
0x67: {  	_ =	shalt  }
0x68: {  	_ =	shalt  }
0x69: {  	_ =	shalt  }
0x6a: {  	_ =	shalt  }
0x6b: {  	_ =	shalt  }
0x6c: {  	_ =	shalt  }
0x6d: {  	_ =	shalt  }
0x6e: {  	_ =	shalt  }
0x6f: {  	_ =	shalt  }
0x70: {  	_ =	shalt  }
0x71: {  	_ =	shalt  }
0x72: {  	_ =	shalt  }
0x73: {  	_ =	shalt  }
0x74: {  	_ =	shalt  }
0x75: {  	_ =	shalt  }
0x76: {  	_ =	shalt  }
0x77: {  	_ =	shalt  }
0x78: {  	_ =	shalt  }
0x79: {  	_ =	shalt  }
0x7a: {  	_ =	shalt  }
0x7b: {  	_ =	shalt  }
0x7c: {  	_ =	shalt  }
0x7d: {  	_ =	shalt  }
0x7e: {  	_ =	shalt  }
0x7f: {  	_ =	shalt  }
0x80: {  	_ =	shalt  }
0x81: {  	_ =	shalt  }
0x82: {  	_ =	shalt  }
0x83: {  	_ =	shalt  }
0x84: {  	_ =	shalt  }
0x85: {  	_ =	shalt  }
0x86: {  	_ =	shalt  }
0x87: {  	_ =	shalt  }
.Lfunc_end0:
.L_simem_size_0:
called_computation.1_lowered:
.L_overlay_start_0:
0x88: {  	s2 =	sld [smem:$0x3FD9]  }
0x89: {  	s3 =	sld [smem:$0x3FFE];
	_ =	sdelay $0x1  }
0x8a: {  	s1 =	srdreg.scid  }
0x8b: {  	s0 =	sand.u32 $0x1, s1  }
0x8c: {  	s14 =	sshll.u32 s0, $0xA;
	s2 =	sadd.s32 s3, s2  }
0x8d: {  	s2 =	sadd.s32 s2, s14  }
0x8e: {  	[smem:$0x3FC4] =	sst s2  }
0x8f: {  	_ = 	snop  }
0x90: {  	s2 =	sld [smem:$0x3FD0];
	_ =	sdelay $0x2  }
0x91: {  	s15 =	simm.s32 $0xA;
	s4 =	simm.s32 $0x10  }
0x92: {  	[smem:s4], [sflag:s15] =	dma.local [hbm:s2], $0x1  }
0x93: {  	_ =	swait.eq [sflag:s15], $0x1  }
0x94: {  	[sflag:s15] =	ssyncset.done $0x0  }
0x95: {  	[sflag:s15] =	ssyncadd.s32 $0xFFFFFFFF  }
0x96: {  	s16 =	sld [smem:$0x11];
	(tm) =	ssettm $0x1  }
0x97: {  	s17 =	sld [smem:$0x3FFB];
	_ =	sdelay $0x3  }
0x98: {  	_ =	strace s17  }
0x99: {  	s3 =	sld [smem:$0x3FFC];
	_ =	sdelay $0x3  }
0x9a: {  	_ =	strace s3  }
0x9b: {  	s3 =	sld [smem:$0x3FFD];
	_ =	sdelay $0x3  }
0x9c: {  	_ =	strace s3  }
0x9d: {  	_ =	strace $0x8FFFFFFF  }
0x9e: {  	s18 =	sld [smem:$0x3FDB];
	_ =	sdelay $0x1  }
0x9f: {  	s19 =	simm.s32 $_scs_section_size  }
0xa0: {  	s5 =	simm.s32 $_size__tile_overlayer_lowered;
	s6 =	simm.s32 $_tile_overlayer_lowered  }
0xa1: {  	s22 =	simm.s32 $0x1BFF;
	s21 =	sshll.u32 s6, $0x1;
	s3 =	sadd.s32 s19, s18  }
0xa2: {  	s7 =	simm.s32 $0x0;
	s20 =	sshll.u32 s5, $0x1;
	s5 =	sadd.s32 s21, s3  }
0xa3: {  	[timem:s7], [sflag:s22] =	dma.local [hbm:s5], s20  }
0xa4: {  	_ =	swait.ge [sflag:s22], s20  }
0xa5: {  	s4 =	ssub.s32 $0x0, s20;
	[sflag:s22] =	ssyncset.done $0x0  }
0xa6: {  	[sflag:s22] =	ssyncadd.s32 s4;
	_ =	sdelay $0x1  }
0xa7: {  	s23 =	simm.s32 $0x1B8B  }
0xa8: {  	_ =	swait.ge [sflag:s23], $0x1  }
0xa9: {  	[sflag:s23] =	ssyncset.done $0x0  }
0xaa: {  	s25 =	simm.s32 $0x1B8E;
	s24 =	sld [smem:$0x3FFE];
	[sflag:s23] =	ssyncadd.s32 $0xFFFFFFFF  }
0xab: {  	s26 =	simm.s32 $execute0_lowered;
	[smem:$0x3FD2] =	sst s25  }
0xac: {  	s5 =	sshll.u32 s26, $0x1;
	_ =	strace $0x80000049;
	[dreg:$0x1] =	wrdreg $0xFFFFFFFF  }
0xad: {  	s28 =	simm.s32 $_size_execute0_lowered;
	s3 =	sadd.s32 s3, s5;
	[dreg:$0x0] =	wrdreg $0x0  }
0xae: {  	s5 =	sshll.u32 s28, $0x1;
	[dreg:$0x2] =	wrdreg s3  }
0xaf: {  	[dreg:$0x3] =	wrdreg s5  }
0xb0: {  	[dreg:$0x4] =	wrdreg $0xC0  }
0xb1: {  	_ =	task [dreg:s7], $0x5FFFF  }
0xb2: {  	[dreg:$0x1] =	wrdreg $0xFFFFFFFF  }
0xb3: {  	[dreg:$0x0] =	wrdreg $0x60  }
0xb4: {  	[dreg:$0x2] =	wrdreg s16  }
0xb5: {  	[dreg:$0x3] =	wrdreg s24  }
0xb6: {  	[dreg:$0x4] =	wrdreg $0x9  }
0xb7: {  	_ =	task.clear_ibuf [dreg:s7], $0x5FFFF;
	_ =	strace $0x90000049  }
0xb8: {  	s29 =	simm.s32 $0x9;
	_ =	strace $0x8000004B  }
0xb9: {  	_ =	swait.ge [sflag:s29], $0x1  }
0xba: {  	[sflag:s29] =	ssyncadd.s32 $0xFFFFFFFF  }
0xbb: {  	_ =	strace $0x9000004B  }
0xbc: {  	_ =	sfence  }
0xbd: {  	s30 =	sld [smem:$0x0];
	_ =	sdelay $0x2  }
0xbe: {  	s31 =	sshll.u32 s1, $0xD;
	s1 =	sshrl.u32 s1, $0x2  }
0xbf: {  	s3 =	sand.u32 $0x4000, s31;
	s1 =	sadd.s32 s1, s30  }
0xc0: {  	s0 =	sor.u32 s3, s0;
	s1 =	sshll.u32 s1, $0x11  }
0xc1: {  	s0 =	sor.u32 s1, s0  }
0xc2: {  	s0 =	sadd.s32 $0x8F2B, s0  }
0xc3: {  	[sflag:s0] =	ssyncadd.remote.s32 $0x1  }
0xc4: {  	_ =	sfence.sel $0xFFFF  }
0xc5: {  	[dreg:$0x0] =	wrdreg $0xFFFFFFFF;
	(pc) =	sbr.abs _section_cstart, $3  }
0xc6: {  	[dreg:$0x1] =	wrdreg $0xFFFFFFFF  }
0xc7: {  	_ =	task.clear_ibuf [dreg:s7], $0x2FFFF;
	_ =	strace $0x9FFFFFFF  }
0xc8: {  	(tm) =	ssettm $0x7FFFFFFF  }
0xc9: {  	_ =	shalt  }
tec
execute0_lowered:
.L_overlay_start_1:
0x0: {  	(tag) =	ssettag $0x1  }
0x1: {  	s3 =	rddreg [dreg:$0x0]  }
0x2: {  	s5 =	rddreg [dreg:$0x1];
	s1 =	srdreg.scid  }
0x3: {  	s0 =	rddreg [dreg:$0x2];
	s9 =	sand.u32 $0x1, s1  }
0x4: {  	s2 =	simm.s32 $0x0;
	s1 =	stileid.u32;
	s4 =	sshll.u32 s9, $0x6  }
0x5: {  	[smem:$0x7FF] =	sst s2;
	s6 =	sshll.u32 s1, $0x7;
	s3 =	sadd.s32 s3, s4  }
0x6: {  	_ =	strace $0x8000004A;
	s4 =	simm.s32 $0x2;
	s3 =	sadd.s32 s6, s3  }
0x7: {  	[tilespmem:s2], [sflag:$0x2] =	stream.linear.gather [hbm4b:s3+s2], $0x200, $0x38;
	[tilespmem:$0x280] =	vst v63  }
0x8: {  	_ =	swait.ge [sflag:s4], $0x200  }
0x9: {  	[sflag:s4] =	ssyncset.done $0x0  }
0xa: {  	v0 =	vimm.f32 $1.000000000e+00;
	[sflag:s4] =	ssyncadd.s32 $0xFFFFFE00  }
0xb: {  	[tilespmem:$0x270] =	vst v0  }
0xc: {  	[tilespmem:$0x260] =	vst v0  }
0xd: {  	[tilespmem:$0x250] =	vst v0  }
0xe: {  	[tilespmem:$0x240] =	vst v0  }
0xf: {  	[tilespmem:$0x230] =	vst v0  }
0x10: {  	s9 =	ssub.s32 $0x2, s9;
	[tilespmem:$0x220] =	vst v0  }
0x11: {  	s7 =	simm.s32 $0x80;
	s8 =	simm.s32 $0x200;
	s10 =	sshrl.u32 s9, $0x1;
	[tilespmem:$0x200] =	vst v0  }
0x12: {  	s5 =	sadd.s32 $0xC00, s5;
	s6 =	simm.s32 $0x1;
	s9 =	ssub.s32 s9, s10;
	[tilespmem:$0x210] =	vst v0  }
0x13: {  	[hbm4b:s5+s7] =	stream.indirect.scatter [tilespmem:s8], [sflag:$0x1], $0x1, s2, s7, $0xb8;
	[tilespmem:$0x280] =	vst v63  }
0x14: {  	s11 =	smax.u32 s9, $0x1;
	_ =	swait.ge [sflag:s6], $0x80  }
0x15: {  	p0 =	sne.s32 s11, $0x1;
	[sflag:s6] =	ssyncset.done $0x0  }
.Ltmp0:
0x16: {  	[sflag:s6] =	ssyncadd.s32 $0xFFFFFF80;
	(pc) =	sbr.rel @!p0 .LBB2_2-.Ltmp0, $4  }
0x17: {  	[hbm4b:s5+s7] =	stream.indirect.scatter [tilespmem:s8], [sflag:$0x1], $0x1, s7, s7, $0xb8;
	[tilespmem:$0x280] =	vst v63  }
0x18: {  	_ =	swait.ge [sflag:s6], $0x80  }
0x19: {  	s10 =	simm.s32 $0x100;
	[sflag:s6] =	ssyncset.done $0x0  }
0x1a: {  	s9 =	simm.s32 $0x180;
	s11 =	sadd.s32 $0xFFFFFFFF, s11;
	[sflag:s6] =	ssyncadd.s32 $0xFFFFFF80  }
.LBB2_1:
0x1b: {  	[hbm4b:s5+s7] =	stream.indirect.scatter [tilespmem:s8], [sflag:$0x1], $0x1, s10, s7, $0xb8;
	[tilespmem:$0x280] =	vst v63  }
0x1c: {  	p0 =	sne.s32 s11, $0x1;
	s11 =	sadd.s32 $0xFFFFFFFF, s11;
	_ =	swait.ge [sflag:s6], $0x80  }
0x1d: {  	[sflag:s6] =	ssyncset.done $0x0  }
0x1e: {  	[sflag:s6] =	ssyncadd.s32 $0xFFFFFF80  }
0x1f: {  	[hbm4b:s5+s7] =	stream.indirect.scatter [tilespmem:s8], [sflag:$0x1], $0x1, s9, s7, $0xb8;
	[tilespmem:$0x280] =	vst v63  }
0x20: {  	_ =	swait.ge [sflag:s6], $0x80  }
0x21: {  	[sflag:s6] =	ssyncset.done $0x0  }
0x22: {  	[sflag:s6] =	ssyncadd.s32 $0xFFFFFF80  }
0x23: {  	[tilespmem:s2], [sflag:$0x2] =	stream.linear.gather [hbm4b:s3+s2], $0x200, $0x38;
	[tilespmem:$0x280] =	vst v63  }
0x24: {  	_ =	swait.ge [sflag:s4], $0x200  }
0x25: {  	[sflag:s4] =	ssyncset.done $0x0  }
0x26: {  	[sflag:s4] =	ssyncadd.s32 $0xFFFFFE00  }
0x27: {  	[tilespmem:$0x270] =	vst v0  }
0x28: {  	[tilespmem:$0x260] =	vst v0  }
0x29: {  	[tilespmem:$0x250] =	vst v0  }
0x2a: {  	[tilespmem:$0x240] =	vst v0  }
0x2b: {  	[tilespmem:$0x230] =	vst v0  }
0x2c: {  	[tilespmem:$0x220] =	vst v0  }
0x2d: {  	[tilespmem:$0x200] =	vst v0  }
0x2e: {  	[tilespmem:$0x210] =	vst v0  }
0x2f: {  	[hbm4b:s5+s7] =	stream.indirect.scatter [tilespmem:s8], [sflag:$0x1], $0x1, s2, s7, $0xb8;
	[tilespmem:$0x280] =	vst v63  }
0x30: {  	_ =	swait.ge [sflag:s6], $0x80  }
0x31: {  	[sflag:s6] =	ssyncset.done $0x0  }
.Ltmp1:
0x32: {  	[sflag:s6] =	ssyncadd.s32 $0xFFFFFF80;
	(pc) =	sbr.rel @p0 .LBB2_1-.Ltmp1, $4  }
0x33: {  	[hbm4b:s5+s7] =	stream.indirect.scatter [tilespmem:s8], [sflag:$0x1], $0x1, s7, s7, $0xb8;
	[tilespmem:$0x280] =	vst v63  }
0x34: {  	_ =	swait.ge [sflag:s6], $0x80  }
0x35: {  	[sflag:s6] =	ssyncset.done $0x0  }
0x36: {  	[sflag:s6] =	ssyncadd.s32 $0xFFFFFF80  }
.LBB2_2:
0x37: {  	[hbm4b:s5+s7] =	stream.indirect.scatter [tilespmem:s8], [sflag:$0x1], $0x1, s10, s7, $0xb8;
	[tilespmem:$0x280] =	vst v63  }
0x38: {  	_ =	swait.ge [sflag:s6], $0x80  }
0x39: {  	[sflag:s6] =	ssyncset.done $0x0  }
0x3a: {  	[sflag:s6] =	ssyncadd.s32 $0xFFFFFF80  }
0x3b: {  	[hbm4b:s5+s7] =	stream.indirect.scatter [tilespmem:s8], [sflag:$0x1], $0x1, s9, s7, $0xb8;
	[tilespmem:$0x280] =	vst v63  }
0x3c: {  	_ =	swait.ge [sflag:s6], $0x80  }
0x3d: {  	[sflag:s6] =	ssyncset.done $0x0  }
0x3e: {  	[sflag:s6] =	ssyncadd.s32 $0xFFFFFF80  }
0x3f: {  	_ =	sfence.sel $0x180000  }
0x40: {  	[bflag:$0x0] =	sbarrier.arrive $0xFFFF  }
0x41: {  	p0 =	sne.s32 s1, $0x0;
	_ =	strace $0x9000004A  }
0x42: {  	s0 =	sadd.s32 @!p0 $0x100000, s0;
	[bflag:$0x2] =	sbarrier.arrive $0xFFFF  }
0x43: {  	[sflag:s0] =	ssyncadd.tile.s32 @!p0 $0x1;
	_ =	shalt  }
.Lfunc_end2:
_tile_overlayer_lowered:
.L_overlay_start_2:
0x44: {  	(tag) =	ssettag $0x2  }
0x45: {  	s0 =	rddreg [dreg:$0x0];
	s2 =	stileid.u32  }
0x46: {  	s1 =	rddreg [dreg:$0x1];
	p0 =	sne.s32 s2, $0x0  }
0x47: {  	s3 =	rddreg [dreg:$0x2];
	[bflag:$0x3] =	sbarrier.arrive $0xFFFF;
	s2 =	simm.s32 @!p0 $0x1C02  }
0x48: {  	[timem:s3], [sflag:s2] =	dma.local @!p0 [hbm:s0], s1  }
0x49: {  	s0 =	simm.s32 @!p0 $0x2  }
0x4a: {  	_ =	swait.ge @!p0 [sflag:s0], s1  }
0x4b: {  	s1 =	ssub.s32 @!p0 $0x0, s1;
	[sflag:s0] =	ssyncset.done @!p0 $0x0  }
0x4c: {  	[sflag:s0] =	ssyncadd.s32 @!p0 s1  }
0x4d: {  	[bflag:$0x3] =	sbarrier.arrive $0xFFFF  }
0x4e: {  	_ =	shalt  }

</sc_bundles>
